<compile_context>
chip_gen: v7x
topology: tpu7x:2x2x1
jax: 0.10.2.dev20260603
libtpu: 0.0.44.dev20260713+nightly
codegen_flags: <defaults>
</compile_context>

<pallas_src>
import jax
import jax.numpy as jnp
from jax import lax
from jax.experimental import pallas as pl
from jax.experimental.pallas import tpu as pltpu
from jax.experimental.pallas import tpu_sc as plsc

B = 8
N = 16384
S = 2048
L = 16
NC = 2
NSUB = 16

B_TC = 4
B_SC = B - B_TC
TPB = (NC * NSUB) // B_SC
NPT = N // TPB
NCHUNK = NPT // L

_INT_MAX = 2**31 - 1


def _bcast_lane(vec, lane):
    return vec[jnp.full((L,), lane, jnp.int32)]


def _fps_sc_body(xyz_hbm, out_hbm, x_v, y_v, z_v, d_v, pub_v, part_v, oidx_v,
                 shared):
    cid = lax.axis_index("c")
    sid = lax.axis_index("s")
    wid = cid * NSUB + sid
    b = wid // TPB
    k = wid % TPB
    grp = sid - (sid % TPB)

    lane_iota = lax.iota(jnp.int32, L)

    base = b * 3 * N + k * NPT
    pltpu.sync_copy(xyz_hbm.at[pl.ds(base, NPT)], x_v)
    pltpu.sync_copy(xyz_hbm.at[pl.ds(base + N, NPT)], y_v)
    pltpu.sync_copy(xyz_hbm.at[pl.ds(base + 2 * N, NPT)], z_v)

    inf_v = jnp.full((L,), jnp.inf, jnp.float32)

    def init_body(c, carry):
        d_v[pl.ds(c * L, L)] = inf_v
        return carry

    lax.fori_loop(0, NCHUNK, init_body, 0)

    cb = b * 3 * N
    pltpu.sync_copy(xyz_hbm.at[pl.ds(cb, L)], pub_v)
    cxv0 = _bcast_lane(pub_v[...], 0)
    pltpu.sync_copy(xyz_hbm.at[pl.ds(cb + N, L)], pub_v)
    cyv0 = _bcast_lane(pub_v[...], 0)
    pltpu.sync_copy(xyz_hbm.at[pl.ds(cb + 2 * N, L)], pub_v)
    czv0 = _bcast_lane(pub_v[...], 0)

    gbase = k * NPT

    def step(i, carry):
        cxv, cyv, czv, farv = carry

        @pl.when(k == 0)
        def _():
            plsc.store_scatter(oidx_v, [jnp.full((L,), i, jnp.int32)],
                               farv, mask=lane_iota == 0)

        def chunk(c, inner):
            bmax, bidx = inner
            off = c * L
            xv = x_v[pl.ds(off, L)]
            yv = y_v[pl.ds(off, L)]
            zv = z_v[pl.ds(off, L)]
            dv = d_v[pl.ds(off, L)]
            dx = xv - cxv
            dy = yv - cyv
            dz = zv - czv
            d = (dx * dx + dy * dy) + dz * dz
            nd = jnp.minimum(dv, d)
            d_v[pl.ds(off, L)] = nd
            upd = nd > bmax
            bmax = jnp.where(upd, nd, bmax)
            bidx = jnp.where(upd, lane_iota + off, bidx)
            return bmax, bidx

        bmax0 = jnp.full((L,), -jnp.inf, jnp.float32)
        bidx0 = jnp.zeros((L,), jnp.int32)
        bmax, bidx = plsc.parallel_loop(
            0, NCHUNK, 1, unroll=8, carry=(bmax0, bidx0))(chunk)

        pmax = bmax
        for sh in (8, 4, 2, 1):
            pmax = jnp.maximum(pmax, pmax[lane_iota ^ sh])
        pidx = jnp.where(bmax == pmax, bidx, jnp.int32(_INT_MAX))
        for sh in (8, 4, 2, 1):
            pidx = jnp.minimum(pidx, pidx[lane_iota ^ sh])

        wx = plsc.load_gather(x_v, [pidx])
        wy = plsc.load_gather(y_v, [pidx])
        wz = plsc.load_gather(z_v, [pidx])

        gidx_f = plsc.bitcast(pidx + gbase, jnp.float32)
        pub = jnp.where(lane_iota == 0, pmax,
              jnp.where(lane_iota == 1, gidx_f,
              jnp.where(lane_iota == 2, wx,
              jnp.where(lane_iota == 3, wy, wz))))
        pub_v[...] = pub

        poff = (i % 2) * (NSUB * L)
        pltpu.sync_copy(pub_v, shared.at[pl.ds(poff + sid * L, L)])
        plsc.subcore_barrier()
        pltpu.sync_copy(shared.at[pl.ds(poff + grp * L, TPB * L)], part_v)

        best = part_v[pl.ds(0, L)]
        bval = _bcast_lane(best, 0)
        for j in range(1, TPB):
            cand = part_v[pl.ds(j * L, L)]
            cval = _bcast_lane(cand, 0)
            take = cval > bval
            best = jnp.where(take, cand, best)
            bval = jnp.where(take, cval, bval)

        nfarv = _bcast_lane(plsc.bitcast(best, jnp.int32), 1)
        ncxv = _bcast_lane(best, 2)
        ncyv = _bcast_lane(best, 3)
        nczv = _bcast_lane(best, 4)
        return ncxv, ncyv, nczv, nfarv

    far0 = jnp.zeros((L,), jnp.int32)
    lax.fori_loop(0, S, step, (cxv0, cyv0, czv0, far0))

    @pl.when(k == 0)
    def _():
        pltpu.sync_copy(oidx_v, out_hbm.at[pl.ds(b * S, S)])


BLK = 512
NBLK = N // BLK


def _fps_tc_body(x_ref, y_ref, z_ref, out_ref, dist_ref):
    iota_blk = lax.broadcasted_iota(jnp.int32, (B_TC, BLK), 1)
    dist_ref[...] = jnp.full((B_TC, N), jnp.inf, jnp.float32)

    def step(i, carry):
        far_col, cx, cy, cz = carry
        out_ref[pl.ds(i, 1), :] = far_col.reshape(1, B_TC)

        bmax = jnp.full((B_TC, BLK), -jnp.inf, jnp.float32)
        bidx = jnp.zeros((B_TC, BLK), jnp.int32)
        zblk = jnp.zeros((B_TC, BLK), jnp.float32)
        bx, by, bz = zblk, zblk, zblk
        for blk in range(NBLK):
            sl = pl.ds(blk * BLK, BLK)
            x = x_ref[:, sl]
            y = y_ref[:, sl]
            z = z_ref[:, sl]
            dx = x - cx
            dy = y - cy
            dz = z - cz
            d = (dx * dx + dy * dy) + dz * dz
            nd = jnp.minimum(dist_ref[:, sl], d)
            dist_ref[:, sl] = nd
            upd = nd > bmax
            bmax = jnp.where(upd, nd, bmax)
            bidx = jnp.where(upd, iota_blk + blk * BLK, bidx)
            bx = jnp.where(upd, x, bx)
            by = jnp.where(upd, y, by)
            bz = jnp.where(upd, z, bz)

        mx = jnp.max(bmax, axis=1, keepdims=True)
        idx = jnp.min(jnp.where(bmax == mx, bidx, jnp.int32(_INT_MAX)),
                      axis=1, keepdims=True)
        sel = bidx == idx
        z0 = jnp.float32(0.0)
        ncx = jnp.sum(jnp.where(sel, bx, z0), axis=1, keepdims=True)
        ncy = jnp.sum(jnp.where(sel, by, z0), axis=1, keepdims=True)
        ncz = jnp.sum(jnp.where(sel, bz, z0), axis=1, keepdims=True)
        return idx, ncx, ncy, ncz

    cx0 = x_ref[:, pl.ds(0, BLK)][:, :1]
    cy0 = y_ref[:, pl.ds(0, BLK)][:, :1]
    cz0 = z_ref[:, pl.ds(0, BLK)][:, :1]
    lax.fori_loop(0, S, step,
                  (jnp.zeros((B_TC, 1), jnp.int32), cx0, cy0, cz0))


@jax.jit
def kernel(points_xyz):
    xyz_t = points_xyz.transpose(0, 2, 1)
    sc_flat = xyz_t[B_TC:].reshape(-1)

    mesh = plsc.VectorSubcoreMesh(core_axis_name="c", subcore_axis_name="s")
    fps_sc = pl.kernel(
        _fps_sc_body,
        out_type=jax.ShapeDtypeStruct((B_SC * S,), jnp.int32),
        mesh=mesh,
        compiler_params=pltpu.CompilerParams(needs_layout_passes=False),
        scratch_types=[
            pltpu.VMEM((NPT,), jnp.float32),
            pltpu.VMEM((NPT,), jnp.float32),
            pltpu.VMEM((NPT,), jnp.float32),
            pltpu.VMEM((NPT,), jnp.float32),
            pltpu.VMEM((L,), jnp.float32),
            pltpu.VMEM((TPB * L,), jnp.float32),
            pltpu.VMEM((S,), jnp.int32),
            pltpu.VMEM_SHARED((2 * NSUB * L,), jnp.float32),
        ],
    )
    sc_out = fps_sc(sc_flat).reshape(B_SC, S)

    tc_out = pl.pallas_call(
        _fps_tc_body,
        out_shape=jax.ShapeDtypeStruct((S, B_TC), jnp.int32),
        scratch_shapes=[pltpu.VMEM((B_TC, N), jnp.float32)],
    )(xyz_t[:B_TC, 0], xyz_t[:B_TC, 1], xyz_t[:B_TC, 2])

    return jnp.concatenate([tc_out.T, sc_out], axis=0)

# --- scband reference (transcript-rebuilt; emitter-appended) ---
"""Pipeline reference for scband-points-sampler-62835371540835 (READ-ONLY COPY).

The authoritative reference and input builder live on the scoring server;
editing this copy changes nothing except your own understanding.
"""

import jax, jax.numpy as jnp
import numpy as np

NUM_POINT = [2048]
FPS_SAMPLE_RANGE = [-1]


def _furthest_point_sample(xyz, num_points):
    # xyz: [B, N, 3] -> centroids: [B, num_points] int32
    B, N, _ = xyz.shape
    dist0 = jnp.full((B, N), jnp.inf, dtype=xyz.dtype)
    far0 = jnp.zeros((B,), dtype=jnp.int32)

    def body(carry, _):
        dist, far = carry
        centroid = jnp.take_along_axis(xyz, far[:, None, None], axis=1)  # [B,1,3]
        d = jnp.sum((xyz - centroid) ** 2, axis=-1)  # [B,N]
        dist = jnp.minimum(dist, d)
        new_far = jnp.argmax(dist, axis=1).astype(jnp.int32)
        # emit the centroid chosen at the START of this iteration (matches torch loop)
        return (dist, new_far), far

    (_, _), cents = jax.lax.scan(body, (dist0, far0), None, length=num_points)
    return jnp.transpose(cents)  # [B, num_points]


def setup_inputs(seed: int = 0):
    key = jax.random.key(seed)
    points_xyz = jax.random.normal(key, (8, 16384, 3), dtype=jnp.float32)
    return {"points_xyz": points_xyz}


def reference(points_xyz):
    B, N, _ = points_xyz.shape
    parts = []
    last_end = 0
    for num_point, sample_range in zip(NUM_POINT, FPS_SAMPLE_RANGE):
        end = N if sample_range < 0 else sample_range
        xyz_slice = points_xyz[:, last_end:end, :]
        cur_idx = _furthest_point_sample(xyz_slice, num_point)
        parts.append(cur_idx + last_end)
        last_end = end
    return jnp.concatenate(parts, axis=1).reshape(B, -1)

if __name__ == "__main__":
    import jax
    _d = setup_inputs()
    print(jax.jit(kernel)(*tuple(_d.values())))

</pallas_src>

<mosaic_0001>
#map = affine_map<(d0, d1) -> (0)>
module attributes {stable_mosaic.version = 14 : i64} {
  func.func @_fps_sc_body(%arg0: i32, %arg1: i32, %arg2: memref<196608xf32, #tpu.memory_space<hbm>>, %arg3: memref<8192xi32, #tpu.memory_space<hbm>>, %arg4: memref<2048xf32, #tpu.memory_space<vmem>>, %arg5: memref<2048xf32, #tpu.memory_space<vmem>>, %arg6: memref<2048xf32, #tpu.memory_space<vmem>>, %arg7: memref<2048xf32, #tpu.memory_space<vmem>>, %arg8: memref<16xf32, #tpu.memory_space<vmem>>, %arg9: memref<128xf32, #tpu.memory_space<vmem>>, %arg10: memref<2048xi32, #tpu.memory_space<vmem>>, %arg11: memref<512xf32, #tpu.memory_space<vmem_shared>>) attributes {dimension_semantics = [#tpu.dimension_semantics<core_parallel>, #tpu.dimension_semantics<subcore_parallel>], iteration_bounds = array<i64: 2, 16>, scalar_prefetch = 0 : i64, scratch_operands = 8 : i64, tpu.core_type = #tpu.core_type<sc_vector_subcore>, window_params = [{transform_indices = #map}, {transform_indices = #map}]} {
    %mul3A = arith.constant 16 : i32
    %mul3A_0 = arith.muli %arg0, %mul3A : i32
    %add3A = arith.addi %mul3A_0, %arg1 : i32
    %jit3A = arith.constant 8 : i32
    %div3A = arith.divsi %add3A, %jit3A : i32
    %sign3A = arith.constant 0 : i32
    %sign3A_1 = arith.cmpi sgt, %add3A, %sign3A : i32
    %sign3A_2 = arith.extui %sign3A_1 : i1 to i32
    %sign3A_3 = arith.constant 0 : i32
    %sign3A_4 = arith.cmpi slt, %add3A, %sign3A_3 : i32
    %sign3A_5 = arith.extui %sign3A_4 : i1 to i32
    %sign3A_6 = arith.subi %sign3A_2, %sign3A_5 : i32
    %sign3A_7 = arith.constant 0 : i32
    %sign3A_8 = arith.cmpi sgt, %jit3A, %sign3A_7 : i32
    %sign3A_9 = arith.extui %sign3A_8 : i1 to i32
    %sign3A_10 = arith.constant 0 : i32
    %sign3A_11 = arith.cmpi slt, %jit3A, %sign3A_10 : i32
    %sign3A_12 = arith.extui %sign3A_11 : i1 to i32
    %sign3A_13 = arith.subi %sign3A_9, %sign3A_12 : i32
    %ne3A = arith.cmpi ne, %sign3A_6, %sign3A_13 : i32
    %rem3A = arith.remsi %add3A, %jit3A : i32
    %ne3A_14 = arith.constant 0 : i32
    %ne3A_15 = arith.cmpi ne, %rem3A, %ne3A_14 : i32
    %and3A = arith.andi %ne3A, %ne3A_15 : i1
    %sub3A = arith.constant 1 : i32
    %sub3A_16 = arith.subi %div3A, %sub3A : i32
    %select_n3A = arith.select %and3A, %sub3A_16, %div3A : i32
    %jit3A_17 = arith.constant 8 : i32
    %eq3A = arith.constant 0 : i32
    %eq3A_18 = arith.cmpi eq, %jit3A_17, %eq3A : i32
    %jit3A_19 = arith.constant 1 : i32
    %select_n3A_20 = arith.select %eq3A_18, %jit3A_19, %jit3A_17 : i32
    %rem3A_21 = arith.remsi %add3A, %select_n3A_20 : i32
    %ne3A_22 = arith.constant 0 : i32
    %ne3A_23 = arith.cmpi ne, %rem3A_21, %ne3A_22 : i32
    %lt3A = arith.constant 0 : i32
    %lt3A_24 = arith.cmpi slt, %rem3A_21, %lt3A : i32
    %lt3A_25 = arith.constant 0 : i32
    %lt3A_26 = arith.cmpi slt, %select_n3A_20, %lt3A_25 : i32
    %ne3A_27 = arith.xori %lt3A_24, %lt3A_26 : i1
    %and3A_28 = arith.andi %ne3A_27, %ne3A_23 : i1
    %add3A_29 = arith.addi %rem3A_21, %select_n3A_20 : i32
    %select_n3A_30 = arith.select %and3A_28, %add3A_29, %rem3A_21 : i32
    %jit3A_31 = arith.constant 8 : i32
    %eq3A_32 = arith.constant 0 : i32
    %eq3A_33 = arith.cmpi eq, %jit3A_31, %eq3A_32 : i32
    %jit3A_34 = arith.constant 1 : i32
    %select_n3A_35 = arith.select %eq3A_33, %jit3A_34, %jit3A_31 : i32
    %rem3A_36 = arith.remsi %arg1, %select_n3A_35 : i32
    %ne3A_37 = arith.constant 0 : i32
    %ne3A_38 = arith.cmpi ne, %rem3A_36, %ne3A_37 : i32
    %lt3A_39 = arith.constant 0 : i32
    %lt3A_40 = arith.cmpi slt, %rem3A_36, %lt3A_39 : i32
    %lt3A_41 = arith.constant 0 : i32
    %lt3A_42 = arith.cmpi slt, %select_n3A_35, %lt3A_41 : i32
    %ne3A_43 = arith.xori %lt3A_40, %lt3A_42 : i1
    %and3A_44 = arith.andi %ne3A_43, %ne3A_38 : i1
    %add3A_45 = arith.addi %rem3A_36, %select_n3A_35 : i32
    %select_n3A_46 = arith.select %and3A_44, %add3A_45, %rem3A_36 : i32
    %sub3A_47 = arith.subi %arg1, %select_n3A_46 : i32
    %iota3A = tpu.iota {dimensions = array<i32: 0>} : vector<16xi32>
    %mul3A_48 = arith.constant 3 : i32
    %mul3A_49 = arith.muli %select_n3A, %mul3A_48 : i32
    %mul3A_50 = arith.constant 16384 : i32
    %mul3A_51 = arith.muli %mul3A_49, %mul3A_50 : i32
    %mul3A_52 = arith.constant 2048 : i32
    %mul3A_53 = arith.muli %select_n3A_30, %mul3A_52 : i32
    %add3A_54 = arith.addi %mul3A_51, %mul3A_53 : i32
    "tpu.region"() ({
      %run_scoped3A = tpu.sem_alloc : memref<!tpu.dma_semaphore, #tpu.memory_space<semaphore_mem>>
      %dma_start3A = tpu.memref_slice %arg2[%add3A_54] : memref<196608xf32, #tpu.memory_space<hbm>> -> memref<2048xf32, #tpu.memory_space<hbm>>
      %dma_start3A_126 = tpu.memref_slice %arg2[%add3A_54] : memref<196608xf32, #tpu.memory_space<hbm>> -> memref<2048xf32, #tpu.memory_space<hbm>>
      tpu.enqueue_dma source(%dma_start3A_126 : memref<2048xf32, #tpu.memory_space<hbm>>) target(%arg4 : memref<2048xf32, #tpu.memory_space<vmem>>) target_semaphore(%run_scoped3A : memref<!tpu.dma_semaphore, #tpu.memory_space<semaphore_mem>>)
      %dma_wait3A = tpu.memref_slice %arg2[%add3A_54] : memref<196608xf32, #tpu.memory_space<hbm>> -> memref<2048xf32, #tpu.memory_space<hbm>>
      %dma_wait3A_127 = tpu.memref_slice %arg2[%add3A_54] : memref<196608xf32, #tpu.memory_space<hbm>> -> memref<2048xf32, #tpu.memory_space<hbm>>
      tpu.wait_dma2 semaphore(%run_scoped3A : memref<!tpu.dma_semaphore, #tpu.memory_space<semaphore_mem>>) src(%dma_wait3A_127 : memref<2048xf32, #tpu.memory_space<hbm>>) dst(%arg4 : memref<2048xf32, #tpu.memory_space<vmem>>)
      tpu.yield
    }) : () -> ()
    %add3A_55 = arith.constant 16384 : i32
    %add3A_56 = arith.addi %add3A_54, %add3A_55 : i32
    "tpu.region"() ({
      %run_scoped3A = tpu.sem_alloc : memref<!tpu.dma_semaphore, #tpu.memory_space<semaphore_mem>>
      %dma_start3A = tpu.memref_slice %arg2[%add3A_56] : memref<196608xf32, #tpu.memory_space<hbm>> -> memref<2048xf32, #tpu.memory_space<hbm>>
      %dma_start3A_126 = tpu.memref_slice %arg2[%add3A_56] : memref<196608xf32, #tpu.memory_space<hbm>> -> memref<2048xf32, #tpu.memory_space<hbm>>
      tpu.enqueue_dma source(%dma_start3A_126 : memref<2048xf32, #tpu.memory_space<hbm>>) target(%arg5 : memref<2048xf32, #tpu.memory_space<vmem>>) target_semaphore(%run_scoped3A : memref<!tpu.dma_semaphore, #tpu.memory_space<semaphore_mem>>)
      %dma_wait3A = tpu.memref_slice %arg2[%add3A_56] : memref<196608xf32, #tpu.memory_space<hbm>> -> memref<2048xf32, #tpu.memory_space<hbm>>
      %dma_wait3A_127 = tpu.memref_slice %arg2[%add3A_56] : memref<196608xf32, #tpu.memory_space<hbm>> -> memref<2048xf32, #tpu.memory_space<hbm>>
      tpu.wait_dma2 semaphore(%run_scoped3A : memref<!tpu.dma_semaphore, #tpu.memory_space<semaphore_mem>>) src(%dma_wait3A_127 : memref<2048xf32, #tpu.memory_space<hbm>>) dst(%arg5 : memref<2048xf32, #tpu.memory_space<vmem>>)
      tpu.yield
    }) : () -> ()
    %add3A_57 = arith.constant 32768 : i32
    %add3A_58 = arith.addi %add3A_54, %add3A_57 : i32
    "tpu.region"() ({
      %run_scoped3A = tpu.sem_alloc : memref<!tpu.dma_semaphore, #tpu.memory_space<semaphore_mem>>
      %dma_start3A = tpu.memref_slice %arg2[%add3A_58] : memref<196608xf32, #tpu.memory_space<hbm>> -> memref<2048xf32, #tpu.memory_space<hbm>>
      %dma_start3A_126 = tpu.memref_slice %arg2[%add3A_58] : memref<196608xf32, #tpu.memory_space<hbm>> -> memref<2048xf32, #tpu.memory_space<hbm>>
      tpu.enqueue_dma source(%dma_start3A_126 : memref<2048xf32, #tpu.memory_space<hbm>>) target(%arg6 : memref<2048xf32, #tpu.memory_space<vmem>>) target_semaphore(%run_scoped3A : memref<!tpu.dma_semaphore, #tpu.memory_space<semaphore_mem>>)
      %dma_wait3A = tpu.memref_slice %arg2[%add3A_58] : memref<196608xf32, #tpu.memory_space<hbm>> -> memref<2048xf32, #tpu.memory_space<hbm>>
      %dma_wait3A_127 = tpu.memref_slice %arg2[%add3A_58] : memref<196608xf32, #tpu.memory_space<hbm>> -> memref<2048xf32, #tpu.memory_space<hbm>>
      tpu.wait_dma2 semaphore(%run_scoped3A : memref<!tpu.dma_semaphore, #tpu.memory_space<semaphore_mem>>) src(%dma_wait3A_127 : memref<2048xf32, #tpu.memory_space<hbm>>) dst(%arg6 : memref<2048xf32, #tpu.memory_space<vmem>>)
      tpu.yield
    }) : () -> ()
    %broadcast_in_dim3A = arith.constant 0x7F800000 : f32
    %broadcast_in_dim3A_59 = vector.broadcast %broadcast_in_dim3A : f32 to vector<16xf32>
    %scan3A = arith.constant 0 : i32
    %scan3A_60 = arith.constant 0 : i32
    %scan3A_61 = arith.constant 128 : i32
    %scan3A_62 = arith.addi %scan3A_60, %scan3A_61 : i32
    %scan3A_63 = arith.constant 1 : i32
    scf.for %scan3A_126 = %scan3A_60 to %scan3A_62 step %scan3A_63  : i32 {
      %mul3A_127 = arith.constant 16 : i32
      %mul3A_128 = arith.muli %scan3A_126, %mul3A_127 : i32
      %swap3A = arith.index_cast %mul3A_128 : i32 to index
      %swap3A_129 = tpu.vector_load %arg7[%swap3A] {strides = array<i32>} : memref<2048xf32, #tpu.memory_space<vmem>>, vector<16xf32>,
      tpu.vector_store %arg7[%swap3A], %broadcast_in_dim3A_59 {strides = array<i32>} : memref<2048xf32, #tpu.memory_space<vmem>>, vector<16xf32>,
    }
    %scan3A_64 = arith.constant 128 : i32
    %mul3A_65 = arith.constant 3 : i32
    %mul3A_66 = arith.muli %select_n3A, %mul3A_65 : i32
    %mul3A_67 = arith.constant 16384 : i32
    %mul3A_68 = arith.muli %mul3A_66, %mul3A_67 : i32
    "tpu.region"() ({
      %run_scoped3A = tpu.sem_alloc : memref<!tpu.dma_semaphore, #tpu.memory_space<semaphore_mem>>
      %dma_start3A = tpu.memref_slice %arg2[%mul3A_68] : memref<196608xf32, #tpu.memory_space<hbm>> -> memref<16xf32, #tpu.memory_space<hbm>>
      %dma_start3A_126 = tpu.memref_slice %arg2[%mul3A_68] : memref<196608xf32, #tpu.memory_space<hbm>> -> memref<16xf32, #tpu.memory_space<hbm>>
      tpu.enqueue_dma source(%dma_start3A_126 : memref<16xf32, #tpu.memory_space<hbm>>) target(%arg8 : memref<16xf32, #tpu.memory_space<vmem>>) target_semaphore(%run_scoped3A : memref<!tpu.dma_semaphore, #tpu.memory_space<semaphore_mem>>)
      %dma_wait3A = tpu.memref_slice %arg2[%mul3A_68] : memref<196608xf32, #tpu.memory_space<hbm>> -> memref<16xf32, #tpu.memory_space<hbm>>
      %dma_wait3A_127 = tpu.memref_slice %arg2[%mul3A_68] : memref<196608xf32, #tpu.memory_space<hbm>> -> memref<16xf32, #tpu.memory_space<hbm>>
      tpu.wait_dma2 semaphore(%run_scoped3A : memref<!tpu.dma_semaphore, #tpu.memory_space<semaphore_mem>>) src(%dma_wait3A_127 : memref<16xf32, #tpu.memory_space<hbm>>) dst(%arg8 : memref<16xf32, #tpu.memory_space<vmem>>)
      tpu.yield
    }) : () -> ()
    %get3A = arith.constant 0 : index
    %get3A_69 = tpu.vector_load %arg8[%get3A] {strides = array<i32>} : memref<16xf32, #tpu.memory_space<vmem>>, vector<16xf32>,
    %broadcast_in_dim3A_70 = arith.constant 0 : i32
    %broadcast_in_dim3A_71 = vector.broadcast %broadcast_in_dim3A_70 : i32 to vector<16xi32>
    %lt3A_72 = arith.constant 0 : i32
    %lt3A_73 = vector.broadcast %lt3A_72 : i32 to vector<16xi32>
    %lt3A_74 = arith.cmpi slt, %broadcast_in_dim3A_71, %lt3A_73 : vector<16xi32>
    %add3A_75 = arith.constant 16 : i32
    %add3A_76 = vector.broadcast %add3A_75 : i32 to vector<16xi32>
    %add3A_77 = arith.addi %broadcast_in_dim3A_71, %add3A_76 : vector<16xi32>
    %select_n3A_78 = arith.select %lt3A_74, %add3A_77, %broadcast_in_dim3A_71 : vector<16xi1>, vector<16xi32>
    %broadcast_in_dim3A_79 = vector.shape_cast %select_n3A_78 : vector<16xi32> to vector<16x1xi32>
    %gather3A = vector.shape_cast %broadcast_in_dim3A_79 : vector<16x1xi32> to vector<16xi32>
    %gather3A_80 = tpu.dynamic_gather %get3A_69[%gather3A] in [0] : vector<16xf32>, vector<16xi32> -> vector<16xf32>
    %add3A_81 = arith.constant 16384 : i32
    %add3A_82 = arith.addi %mul3A_68, %add3A_81 : i32
    "tpu.region"() ({
      %run_scoped3A = tpu.sem_alloc : memref<!tpu.dma_semaphore, #tpu.memory_space<semaphore_mem>>
      %dma_start3A = tpu.memref_slice %arg2[%add3A_82] : memref<196608xf32, #tpu.memory_space<hbm>> -> memref<16xf32, #tpu.memory_space<hbm>>
      %dma_start3A_126 = tpu.memref_slice %arg2[%add3A_82] : memref<196608xf32, #tpu.memory_space<hbm>> -> memref<16xf32, #tpu.memory_space<hbm>>
      tpu.enqueue_dma source(%dma_start3A_126 : memref<16xf32, #tpu.memory_space<hbm>>) target(%arg8 : memref<16xf32, #tpu.memory_space<vmem>>) target_semaphore(%run_scoped3A : memref<!tpu.dma_semaphore, #tpu.memory_space<semaphore_mem>>)
      %dma_wait3A = tpu.memref_slice %arg2[%add3A_82] : memref<196608xf32, #tpu.memory_space<hbm>> -> memref<16xf32, #tpu.memory_space<hbm>>
      %dma_wait3A_127 = tpu.memref_slice %arg2[%add3A_82] : memref<196608xf32, #tpu.memory_space<hbm>> -> memref<16xf32, #tpu.memory_space<hbm>>
      tpu.wait_dma2 semaphore(%run_scoped3A : memref<!tpu.dma_semaphore, #tpu.memory_space<semaphore_mem>>) src(%dma_wait3A_127 : memref<16xf32, #tpu.memory_space<hbm>>) dst(%arg8 : memref<16xf32, #tpu.memory_space<vmem>>)
      tpu.yield
    }) : () -> ()
    %get3A_83 = arith.constant 0 : index
    %get3A_84 = tpu.vector_load %arg8[%get3A_83] {strides = array<i32>} : memref<16xf32, #tpu.memory_space<vmem>>, vector<16xf32>,
    %broadcast_in_dim3A_85 = arith.constant 0 : i32
    %broadcast_in_dim3A_86 = vector.broadcast %broadcast_in_dim3A_85 : i32 to vector<16xi32>
    %lt3A_87 = arith.constant 0 : i32
    %lt3A_88 = vector.broadcast %lt3A_87 : i32 to vector<16xi32>
    %lt3A_89 = arith.cmpi slt, %broadcast_in_dim3A_86, %lt3A_88 : vector<16xi32>
    %add3A_90 = arith.constant 16 : i32
    %add3A_91 = vector.broadcast %add3A_90 : i32 to vector<16xi32>
    %add3A_92 = arith.addi %broadcast_in_dim3A_86, %add3A_91 : vector<16xi32>
    %select_n3A_93 = arith.select %lt3A_89, %add3A_92, %broadcast_in_dim3A_86 : vector<16xi1>, vector<16xi32>
    %broadcast_in_dim3A_94 = vector.shape_cast %select_n3A_93 : vector<16xi32> to vector<16x1xi32>
    %gather3A_95 = vector.shape_cast %broadcast_in_dim3A_94 : vector<16x1xi32> to vector<16xi32>
    %gather3A_96 = tpu.dynamic_gather %get3A_84[%gather3A_95] in [0] : vector<16xf32>, vector<16xi32> -> vector<16xf32>
    %add3A_97 = arith.constant 32768 : i32
    %add3A_98 = arith.addi %mul3A_68, %add3A_97 : i32
    "tpu.region"() ({
      %run_scoped3A = tpu.sem_alloc : memref<!tpu.dma_semaphore, #tpu.memory_space<semaphore_mem>>
      %dma_start3A = tpu.memref_slice %arg2[%add3A_98] : memref<196608xf32, #tpu.memory_space<hbm>> -> memref<16xf32, #tpu.memory_space<hbm>>
      %dma_start3A_126 = tpu.memref_slice %arg2[%add3A_98] : memref<196608xf32, #tpu.memory_space<hbm>> -> memref<16xf32, #tpu.memory_space<hbm>>
      tpu.enqueue_dma source(%dma_start3A_126 : memref<16xf32, #tpu.memory_space<hbm>>) target(%arg8 : memref<16xf32, #tpu.memory_space<vmem>>) target_semaphore(%run_scoped3A : memref<!tpu.dma_semaphore, #tpu.memory_space<semaphore_mem>>)
      %dma_wait3A = tpu.memref_slice %arg2[%add3A_98] : memref<196608xf32, #tpu.memory_space<hbm>> -> memref<16xf32, #tpu.memory_space<hbm>>
      %dma_wait3A_127 = tpu.memref_slice %arg2[%add3A_98] : memref<196608xf32, #tpu.memory_space<hbm>> -> memref<16xf32, #tpu.memory_space<hbm>>
      tpu.wait_dma2 semaphore(%run_scoped3A : memref<!tpu.dma_semaphore, #tpu.memory_space<semaphore_mem>>) src(%dma_wait3A_127 : memref<16xf32, #tpu.memory_space<hbm>>) dst(%arg8 : memref<16xf32, #tpu.memory_space<vmem>>)
      tpu.yield
    }) : () -> ()
    %get3A_99 = arith.constant 0 : index
    %get3A_100 = tpu.vector_load %arg8[%get3A_99] {strides = array<i32>} : memref<16xf32, #tpu.memory_space<vmem>>, vector<16xf32>,
    %broadcast_in_dim3A_101 = arith.constant 0 : i32
    %broadcast_in_dim3A_102 = vector.broadcast %broadcast_in_dim3A_101 : i32 to vector<16xi32>
    %lt3A_103 = arith.constant 0 : i32
    %lt3A_104 = vector.broadcast %lt3A_103 : i32 to vector<16xi32>
    %lt3A_105 = arith.cmpi slt, %broadcast_in_dim3A_102, %lt3A_104 : vector<16xi32>
    %add3A_106 = arith.constant 16 : i32
    %add3A_107 = vector.broadcast %add3A_106 : i32 to vector<16xi32>
    %add3A_108 = arith.addi %broadcast_in_dim3A_102, %add3A_107 : vector<16xi32>
    %select_n3A_109 = arith.select %lt3A_105, %add3A_108, %broadcast_in_dim3A_102 : vector<16xi1>, vector<16xi32>
    %broadcast_in_dim3A_110 = vector.shape_cast %select_n3A_109 : vector<16xi32> to vector<16x1xi32>
    %gather3A_111 = vector.shape_cast %broadcast_in_dim3A_110 : vector<16x1xi32> to vector<16xi32>
    %gather3A_112 = tpu.dynamic_gather %get3A_100[%gather3A_111] in [0] : vector<16xf32>, vector<16xi32> -> vector<16xf32>
    %mul3A_113 = arith.constant 2048 : i32
    %mul3A_114 = arith.muli %select_n3A_30, %mul3A_113 : i32
    %broadcast_in_dim3A_115 = arith.constant 0 : i32
    %broadcast_in_dim3A_116 = vector.broadcast %broadcast_in_dim3A_115 : i32 to vector<16xi32>
    %scan3A_117 = arith.constant 0 : i32
    %scan3A_118 = arith.constant 2048 : i32
    %scan3A_119 = arith.addi %scan3A_117, %scan3A_118 : i32
    %scan3A_120 = arith.constant 1 : i32
    %scan3A_121:4 = scf.for %scan3A_126 = %scan3A_117 to %scan3A_119 step %scan3A_120 iter_args(%scan3A_127 = %gather3A_80, %scan3A_128 = %gather3A_96, %scan3A_129 = %gather3A_112, %scan3A_130 = %broadcast_in_dim3A_116) -> (vector<16xf32>, vector<16xf32>, vector<16xf32>, vector<16xi32>)  : i32 {
      %eq3A_131 = arith.constant 0 : i32
      %eq3A_132 = arith.cmpi eq, %select_n3A_30, %eq3A_131 : i32
      %convert_element_type3A_133 = arith.extui %eq3A_132 : i1 to i32
      %cond3A_134 = arith.constant 0 : i32
      %cond3A_135 = arith.cmpi ne, %convert_element_type3A_133, %cond3A_134 : i32
      scf.if %cond3A_135 {
        %broadcast_in_dim3A_483 = vector.broadcast %scan3A_126 : i32 to vector<16xi32>
        %eq3A_484 = arith.constant 0 : i32
        %eq3A_485 = vector.broadcast %eq3A_484 : i32 to vector<16xi32>
        %eq3A_486 = arith.cmpi eq, %iota3A, %eq3A_485 : vector<16xi32>
        tpu.vector_store_idx %arg10[%broadcast_in_dim3A_483], %scan3A_130 masked %eq3A_486 : memref<2048xi32, #tpu.memory_space<vmem>>[vector<16xi32>], vector<16xi32>, vector<16xi1>
      } else {
      }
      %broadcast_in_dim3A_136 = arith.constant 0xFF800000 : f32
      %broadcast_in_dim3A_137 = vector.broadcast %broadcast_in_dim3A_136 : f32 to vector<16xf32>
      %broadcast_in_dim3A_138 = arith.constant 0 : i32
      %broadcast_in_dim3A_139 = vector.broadcast %broadcast_in_dim3A_138 : i32 to vector<16xi32>
      %parallel_loop3A = arith.constant 0 : i32
      %parallel_loop3A_140 = arith.constant 128 : i32
      %parallel_loop3A_141 = arith.constant 1 : i32
      %parallel_loop3A_142:2 = scf.for %parallel_loop3A_483 = %parallel_loop3A to %parallel_loop3A_140 step %parallel_loop3A_141 iter_args(%parallel_loop3A_484 = %broadcast_in_dim3A_137, %parallel_loop3A_485 = %broadcast_in_dim3A_139) -> (vector<16xf32>, vector<16xi32>)  : i32 {
        %parallel_loop3A_486 = arith.constant 16 : i32
        %parallel_loop3A_487 = arith.muli %parallel_loop3A_483, %parallel_loop3A_486 : i32
        %parallel_loop3A_488 = arith.index_cast %parallel_loop3A_487 : i32 to index
        %parallel_loop3A_489 = tpu.vector_load %arg4[%parallel_loop3A_488] {strides = array<i32>} : memref<2048xf32, #tpu.memory_space<vmem>>, vector<16xf32>,
        %parallel_loop3A_490 = arith.index_cast %parallel_loop3A_487 : i32 to index
        %parallel_loop3A_491 = tpu.vector_load %arg5[%parallel_loop3A_490] {strides = array<i32>} : memref<2048xf32, #tpu.memory_space<vmem>>, vector<16xf32>,
        %parallel_loop3A_492 = arith.index_cast %parallel_loop3A_487 : i32 to index
        %parallel_loop3A_493 = tpu.vector_load %arg6[%parallel_loop3A_492] {strides = array<i32>} : memref<2048xf32, #tpu.memory_space<vmem>>, vector<16xf32>,
        %parallel_loop3A_494 = arith.index_cast %parallel_loop3A_487 : i32 to index
        %parallel_loop3A_495 = tpu.vector_load %arg7[%parallel_loop3A_494] {strides = array<i32>} : memref<2048xf32, #tpu.memory_space<vmem>>, vector<16xf32>,
        %parallel_loop3A_496 = arith.subf %parallel_loop3A_489, %scan3A_127 : vector<16xf32>
        %parallel_loop3A_497 = arith.subf %parallel_loop3A_491, %scan3A_128 : vector<16xf32>
        %parallel_loop3A_498 = arith.subf %parallel_loop3A_493, %scan3A_129 : vector<16xf32>
        %parallel_loop3A_499 = arith.mulf %parallel_loop3A_496, %parallel_loop3A_496 : vector<16xf32>
        %parallel_loop3A_500 = arith.mulf %parallel_loop3A_497, %parallel_loop3A_497 : vector<16xf32>
        %parallel_loop3A_501 = arith.addf %parallel_loop3A_499, %parallel_loop3A_500 : vector<16xf32>
        %parallel_loop3A_502 = arith.mulf %parallel_loop3A_498, %parallel_loop3A_498 : vector<16xf32>
        %parallel_loop3A_503 = arith.addf %parallel_loop3A_501, %parallel_loop3A_502 : vector<16xf32>
        %parallel_loop3A_504 = arith.minimumf %parallel_loop3A_495, %parallel_loop3A_503 : vector<16xf32>
        %parallel_loop3A_505 = arith.index_cast %parallel_loop3A_487 : i32 to index
        %parallel_loop3A_506 = tpu.vector_load %arg7[%parallel_loop3A_505] {strides = array<i32>} : memref<2048xf32, #tpu.memory_space<vmem>>, vector<16xf32>,
        tpu.vector_store %arg7[%parallel_loop3A_505], %parallel_loop3A_504 {strides = array<i32>} : memref<2048xf32, #tpu.memory_space<vmem>>, vector<16xf32>,
        %parallel_loop3A_507 = arith.cmpf ogt, %parallel_loop3A_504, %parallel_loop3A_484 : vector<16xf32>
        %parallel_loop3A_508 = arith.select %parallel_loop3A_507, %parallel_loop3A_504, %parallel_loop3A_484 : vector<16xi1>, vector<16xf32>
        %parallel_loop3A_509 = vector.broadcast %parallel_loop3A_487 : i32 to vector<16xi32>
        %parallel_loop3A_510 = arith.addi %iota3A, %parallel_loop3A_509 : vector<16xi32>
        %parallel_loop3A_511 = arith.select %parallel_loop3A_507, %parallel_loop3A_510, %parallel_loop3A_485 : vector<16xi1>, vector<16xi32>
        scf.yield %parallel_loop3A_508, %parallel_loop3A_511 : vector<16xf32>, vector<16xi32>
      } {sc.loop_unroll_factor = 8 : i64, sc.parallel_access}
      %xor3A = arith.constant 8 : i32
      %xor3A_143 = vector.broadcast %xor3A : i32 to vector<16xi32>
      %xor3A_144 = arith.xori %iota3A, %xor3A_143 : vector<16xi32>
      %lt3A_145 = arith.constant 0 : i32
      %lt3A_146 = vector.broadcast %lt3A_145 : i32 to vector<16xi32>
      %lt3A_147 = arith.cmpi slt, %xor3A_144, %lt3A_146 : vector<16xi32>
      %add3A_148 = arith.constant 16 : i32
      %add3A_149 = vector.broadcast %add3A_148 : i32 to vector<16xi32>
      %add3A_150 = arith.addi %xor3A_144, %add3A_149 : vector<16xi32>
      %select_n3A_151 = arith.select %lt3A_147, %add3A_150, %xor3A_144 : vector<16xi1>, vector<16xi32>
      %broadcast_in_dim3A_152 = vector.shape_cast %select_n3A_151 : vector<16xi32> to vector<16x1xi32>
      %gather3A_153 = vector.shape_cast %broadcast_in_dim3A_152 : vector<16x1xi32> to vector<16xi32>
      %gather3A_154 = tpu.dynamic_gather %parallel_loop3A_142#0[%gather3A_153] in [0] : vector<16xf32>, vector<16xi32> -> vector<16xf32>
      %max3A = arith.maximumf %parallel_loop3A_142#0, %gather3A_154 : vector<16xf32>
      %xor3A_155 = arith.constant 4 : i32
      %xor3A_156 = vector.broadcast %xor3A_155 : i32 to vector<16xi32>
      %xor3A_157 = arith.xori %iota3A, %xor3A_156 : vector<16xi32>
      %lt3A_158 = arith.constant 0 : i32
      %lt3A_159 = vector.broadcast %lt3A_158 : i32 to vector<16xi32>
      %lt3A_160 = arith.cmpi slt, %xor3A_157, %lt3A_159 : vector<16xi32>
      %add3A_161 = arith.constant 16 : i32
      %add3A_162 = vector.broadcast %add3A_161 : i32 to vector<16xi32>
      %add3A_163 = arith.addi %xor3A_157, %add3A_162 : vector<16xi32>
      %select_n3A_164 = arith.select %lt3A_160, %add3A_163, %xor3A_157 : vector<16xi1>, vector<16xi32>
      %broadcast_in_dim3A_165 = vector.shape_cast %select_n3A_164 : vector<16xi32> to vector<16x1xi32>
      %gather3A_166 = vector.shape_cast %broadcast_in_dim3A_165 : vector<16x1xi32> to vector<16xi32>
      %gather3A_167 = tpu.dynamic_gather %max3A[%gather3A_166] in [0] : vector<16xf32>, vector<16xi32> -> vector<16xf32>
      %max3A_168 = arith.maximumf %max3A, %gather3A_167 : vector<16xf32>
      %xor3A_169 = arith.constant 2 : i32
      %xor3A_170 = vector.broadcast %xor3A_169 : i32 to vector<16xi32>
      %xor3A_171 = arith.xori %iota3A, %xor3A_170 : vector<16xi32>
      %lt3A_172 = arith.constant 0 : i32
      %lt3A_173 = vector.broadcast %lt3A_172 : i32 to vector<16xi32>
      %lt3A_174 = arith.cmpi slt, %xor3A_171, %lt3A_173 : vector<16xi32>
      %add3A_175 = arith.constant 16 : i32
      %add3A_176 = vector.broadcast %add3A_175 : i32 to vector<16xi32>
      %add3A_177 = arith.addi %xor3A_171, %add3A_176 : vector<16xi32>
      %select_n3A_178 = arith.select %lt3A_174, %add3A_177, %xor3A_171 : vector<16xi1>, vector<16xi32>
      %broadcast_in_dim3A_179 = vector.shape_cast %select_n3A_178 : vector<16xi32> to vector<16x1xi32>
      %gather3A_180 = vector.shape_cast %broadcast_in_dim3A_179 : vector<16x1xi32> to vector<16xi32>
      %gather3A_181 = tpu.dynamic_gather %max3A_168[%gather3A_180] in [0] : vector<16xf32>, vector<16xi32> -> vector<16xf32>
      %max3A_182 = arith.maximumf %max3A_168, %gather3A_181 : vector<16xf32>
      %xor3A_183 = arith.constant 1 : i32
      %xor3A_184 = vector.broadcast %xor3A_183 : i32 to vector<16xi32>
      %xor3A_185 = arith.xori %iota3A, %xor3A_184 : vector<16xi32>
      %lt3A_186 = arith.constant 0 : i32
      %lt3A_187 = vector.broadcast %lt3A_186 : i32 to vector<16xi32>
      %lt3A_188 = arith.cmpi slt, %xor3A_185, %lt3A_187 : vector<16xi32>
      %add3A_189 = arith.constant 16 : i32
      %add3A_190 = vector.broadcast %add3A_189 : i32 to vector<16xi32>
      %add3A_191 = arith.addi %xor3A_185, %add3A_190 : vector<16xi32>
      %select_n3A_192 = arith.select %lt3A_188, %add3A_191, %xor3A_185 : vector<16xi1>, vector<16xi32>
      %broadcast_in_dim3A_193 = vector.shape_cast %select_n3A_192 : vector<16xi32> to vector<16x1xi32>
      %gather3A_194 = vector.shape_cast %broadcast_in_dim3A_193 : vector<16x1xi32> to vector<16xi32>
      %gather3A_195 = tpu.dynamic_gather %max3A_182[%gather3A_194] in [0] : vector<16xf32>, vector<16xi32> -> vector<16xf32>
      %max3A_196 = arith.maximumf %max3A_182, %gather3A_195 : vector<16xf32>
      %eq3A_197 = arith.cmpf oeq, %parallel_loop3A_142#0, %max3A_196 : vector<16xf32>
      %jit3A_198 = arith.constant 2147483647 : i32
      %broadcast_in_dim3A_199 = vector.broadcast %jit3A_198 : i32 to vector<16xi32>
      %select_n3A_200 = arith.select %eq3A_197, %parallel_loop3A_142#1, %broadcast_in_dim3A_199 : vector<16xi1>, vector<16xi32>
      %xor3A_201 = arith.constant 8 : i32
      %xor3A_202 = vector.broadcast %xor3A_201 : i32 to vector<16xi32>
      %xor3A_203 = arith.xori %iota3A, %xor3A_202 : vector<16xi32>
      %lt3A_204 = arith.constant 0 : i32
      %lt3A_205 = vector.broadcast %lt3A_204 : i32 to vector<16xi32>
      %lt3A_206 = arith.cmpi slt, %xor3A_203, %lt3A_205 : vector<16xi32>
      %add3A_207 = arith.constant 16 : i32
      %add3A_208 = vector.broadcast %add3A_207 : i32 to vector<16xi32>
      %add3A_209 = arith.addi %xor3A_203, %add3A_208 : vector<16xi32>
      %select_n3A_210 = arith.select %lt3A_206, %add3A_209, %xor3A_203 : vector<16xi1>, vector<16xi32>
      %broadcast_in_dim3A_211 = vector.shape_cast %select_n3A_210 : vector<16xi32> to vector<16x1xi32>
      %gather3A_212 = vector.shape_cast %broadcast_in_dim3A_211 : vector<16x1xi32> to vector<16xi32>
      %gather3A_213 = tpu.dynamic_gather %select_n3A_200[%gather3A_212] in [0] : vector<16xi32>, vector<16xi32> -> vector<16xi32>
      %min3A = arith.minsi %select_n3A_200, %gather3A_213 : vector<16xi32>
      %xor3A_214 = arith.constant 4 : i32
      %xor3A_215 = vector.broadcast %xor3A_214 : i32 to vector<16xi32>
      %xor3A_216 = arith.xori %iota3A, %xor3A_215 : vector<16xi32>
      %lt3A_217 = arith.constant 0 : i32
      %lt3A_218 = vector.broadcast %lt3A_217 : i32 to vector<16xi32>
      %lt3A_219 = arith.cmpi slt, %xor3A_216, %lt3A_218 : vector<16xi32>
      %add3A_220 = arith.constant 16 : i32
      %add3A_221 = vector.broadcast %add3A_220 : i32 to vector<16xi32>
      %add3A_222 = arith.addi %xor3A_216, %add3A_221 : vector<16xi32>
      %select_n3A_223 = arith.select %lt3A_219, %add3A_222, %xor3A_216 : vector<16xi1>, vector<16xi32>
      %broadcast_in_dim3A_224 = vector.shape_cast %select_n3A_223 : vector<16xi32> to vector<16x1xi32>
      %gather3A_225 = vector.shape_cast %broadcast_in_dim3A_224 : vector<16x1xi32> to vector<16xi32>
      %gather3A_226 = tpu.dynamic_gather %min3A[%gather3A_225] in [0] : vector<16xi32>, vector<16xi32> -> vector<16xi32>
      %min3A_227 = arith.minsi %min3A, %gather3A_226 : vector<16xi32>
      %xor3A_228 = arith.constant 2 : i32
      %xor3A_229 = vector.broadcast %xor3A_228 : i32 to vector<16xi32>
      %xor3A_230 = arith.xori %iota3A, %xor3A_229 : vector<16xi32>
      %lt3A_231 = arith.constant 0 : i32
      %lt3A_232 = vector.broadcast %lt3A_231 : i32 to vector<16xi32>
      %lt3A_233 = arith.cmpi slt, %xor3A_230, %lt3A_232 : vector<16xi32>
      %add3A_234 = arith.constant 16 : i32
      %add3A_235 = vector.broadcast %add3A_234 : i32 to vector<16xi32>
      %add3A_236 = arith.addi %xor3A_230, %add3A_235 : vector<16xi32>
      %select_n3A_237 = arith.select %lt3A_233, %add3A_236, %xor3A_230 : vector<16xi1>, vector<16xi32>
      %broadcast_in_dim3A_238 = vector.shape_cast %select_n3A_237 : vector<16xi32> to vector<16x1xi32>
      %gather3A_239 = vector.shape_cast %broadcast_in_dim3A_238 : vector<16x1xi32> to vector<16xi32>
      %gather3A_240 = tpu.dynamic_gather %min3A_227[%gather3A_239] in [0] : vector<16xi32>, vector<16xi32> -> vector<16xi32>
      %min3A_241 = arith.minsi %min3A_227, %gather3A_240 : vector<16xi32>
      %xor3A_242 = arith.constant 1 : i32
      %xor3A_243 = vector.broadcast %xor3A_242 : i32 to vector<16xi32>
      %xor3A_244 = arith.xori %iota3A, %xor3A_243 : vector<16xi32>
      %lt3A_245 = arith.constant 0 : i32
      %lt3A_246 = vector.broadcast %lt3A_245 : i32 to vector<16xi32>
      %lt3A_247 = arith.cmpi slt, %xor3A_244, %lt3A_246 : vector<16xi32>
      %add3A_248 = arith.constant 16 : i32
      %add3A_249 = vector.broadcast %add3A_248 : i32 to vector<16xi32>
      %add3A_250 = arith.addi %xor3A_244, %add3A_249 : vector<16xi32>
      %select_n3A_251 = arith.select %lt3A_247, %add3A_250, %xor3A_244 : vector<16xi1>, vector<16xi32>
      %broadcast_in_dim3A_252 = vector.shape_cast %select_n3A_251 : vector<16xi32> to vector<16x1xi32>
      %gather3A_253 = vector.shape_cast %broadcast_in_dim3A_252 : vector<16x1xi32> to vector<16xi32>
      %gather3A_254 = tpu.dynamic_gather %min3A_241[%gather3A_253] in [0] : vector<16xi32>, vector<16xi32> -> vector<16xi32>
      %min3A_255 = arith.minsi %min3A_241, %gather3A_254 : vector<16xi32>
      %gather3A_256 = tpu.vector_load_idx %arg4[%min3A_255] : memref<2048xf32, #tpu.memory_space<vmem>>[vector<16xi32>], vector<16xf32>,
      %gather3A_257 = tpu.vector_load_idx %arg5[%min3A_255] : memref<2048xf32, #tpu.memory_space<vmem>>[vector<16xi32>], vector<16xf32>,
      %gather3A_258 = tpu.vector_load_idx %arg6[%min3A_255] : memref<2048xf32, #tpu.memory_space<vmem>>[vector<16xi32>], vector<16xf32>,
      %add3A_259 = vector.broadcast %mul3A_114 : i32 to vector<16xi32>
      %add3A_260 = arith.addi %min3A_255, %add3A_259 : vector<16xi32>
      %bitcast3A = vector.bitcast %add3A_260 : vector<16xi32> to vector<16xf32>
      %eq3A_261 = arith.constant 0 : i32
      %eq3A_262 = vector.broadcast %eq3A_261 : i32 to vector<16xi32>
      %eq3A_263 = arith.cmpi eq, %iota3A, %eq3A_262 : vector<16xi32>
      %eq3A_264 = arith.constant 1 : i32
      %eq3A_265 = vector.broadcast %eq3A_264 : i32 to vector<16xi32>
      %eq3A_266 = arith.cmpi eq, %iota3A, %eq3A_265 : vector<16xi32>
      %eq3A_267 = arith.constant 2 : i32
      %eq3A_268 = vector.broadcast %eq3A_267 : i32 to vector<16xi32>
      %eq3A_269 = arith.cmpi eq, %iota3A, %eq3A_268 : vector<16xi32>
      %eq3A_270 = arith.constant 3 : i32
      %eq3A_271 = vector.broadcast %eq3A_270 : i32 to vector<16xi32>
      %eq3A_272 = arith.cmpi eq, %iota3A, %eq3A_271 : vector<16xi32>
      %select_n3A_273 = arith.select %eq3A_272, %gather3A_257, %gather3A_258 : vector<16xi1>, vector<16xf32>
      %select_n3A_274 = arith.select %eq3A_269, %gather3A_256, %select_n3A_273 : vector<16xi1>, vector<16xf32>
      %select_n3A_275 = arith.select %eq3A_266, %bitcast3A, %select_n3A_274 : vector<16xi1>, vector<16xf32>
      %select_n3A_276 = arith.select %eq3A_263, %max3A_196, %select_n3A_275 : vector<16xi1>, vector<16xf32>
      %swap3A = arith.constant 0 : index
      %swap3A_277 = tpu.vector_load %arg8[%swap3A] {strides = array<i32>} : memref<16xf32, #tpu.memory_space<vmem>>, vector<16xf32>,
      tpu.vector_store %arg8[%swap3A], %select_n3A_276 {strides = array<i32>} : memref<16xf32, #tpu.memory_space<vmem>>, vector<16xf32>,
      %jit3A_278 = arith.constant 2 : i32
      %eq3A_279 = arith.constant 0 : i32
      %eq3A_280 = arith.cmpi eq, %jit3A_278, %eq3A_279 : i32
      %jit3A_281 = arith.constant 1 : i32
      %select_n3A_282 = arith.select %eq3A_280, %jit3A_281, %jit3A_278 : i32
      %rem3A_283 = arith.remsi %scan3A_126, %select_n3A_282 : i32
      %ne3A_284 = arith.constant 0 : i32
      %ne3A_285 = arith.cmpi ne, %rem3A_283, %ne3A_284 : i32
      %lt3A_286 = arith.constant 0 : i32
      %lt3A_287 = arith.cmpi slt, %rem3A_283, %lt3A_286 : i32
      %lt3A_288 = arith.constant 0 : i32
      %lt3A_289 = arith.cmpi slt, %select_n3A_282, %lt3A_288 : i32
      %ne3A_290 = arith.xori %lt3A_287, %lt3A_289 : i1
      %and3A_291 = arith.andi %ne3A_290, %ne3A_285 : i1
      %add3A_292 = arith.addi %rem3A_283, %select_n3A_282 : i32
      %select_n3A_293 = arith.select %and3A_291, %add3A_292, %rem3A_283 : i32
      %mul3A_294 = arith.constant 256 : i32
      %mul3A_295 = arith.muli %select_n3A_293, %mul3A_294 : i32
      %mul3A_296 = arith.constant 16 : i32
      %mul3A_297 = arith.muli %arg1, %mul3A_296 : i32
      %add3A_298 = arith.addi %mul3A_295, %mul3A_297 : i32
      "tpu.region"() ({
        %run_scoped3A = tpu.sem_alloc : memref<!tpu.dma_semaphore, #tpu.memory_space<semaphore_mem>>
        %dma_start3A = tpu.memref_slice %arg11[%add3A_298] : memref<512xf32, #tpu.memory_space<vmem_shared>> -> memref<16xf32, #tpu.memory_space<vmem_shared>>
        %dma_start3A_483 = tpu.memref_slice %arg11[%add3A_298] : memref<512xf32, #tpu.memory_space<vmem_shared>> -> memref<16xf32, #tpu.memory_space<vmem_shared>>
        tpu.enqueue_dma source(%arg8 : memref<16xf32, #tpu.memory_space<vmem>>) target(%dma_start3A_483 : memref<16xf32, #tpu.memory_space<vmem_shared>>) target_semaphore(%run_scoped3A : memref<!tpu.dma_semaphore, #tpu.memory_space<semaphore_mem>>)
        %dma_wait3A = tpu.memref_slice %arg11[%add3A_298] : memref<512xf32, #tpu.memory_space<vmem_shared>> -> memref<16xf32, #tpu.memory_space<vmem_shared>>
        %dma_wait3A_484 = tpu.memref_slice %arg11[%add3A_298] : memref<512xf32, #tpu.memory_space<vmem_shared>> -> memref<16xf32, #tpu.memory_space<vmem_shared>>
        tpu.wait_dma2 semaphore(%run_scoped3A : memref<!tpu.dma_semaphore, #tpu.memory_space<semaphore_mem>>) src(%arg8 : memref<16xf32, #tpu.memory_space<vmem>>) dst(%dma_wait3A_484 : memref<16xf32, #tpu.memory_space<vmem_shared>>)
        tpu.yield
      }) : () -> ()
      %barrier3A = arith.constant 0 : index
      tpu.barrier barrier_id(%barrier3A)
      %mul3A_299 = arith.constant 16 : i32
      %mul3A_300 = arith.muli %sub3A_47, %mul3A_299 : i32
      %add3A_301 = arith.addi %mul3A_295, %mul3A_300 : i32
      "tpu.region"() ({
        %run_scoped3A = tpu.sem_alloc : memref<!tpu.dma_semaphore, #tpu.memory_space<semaphore_mem>>
        %dma_start3A = tpu.memref_slice %arg11[%add3A_301] : memref<512xf32, #tpu.memory_space<vmem_shared>> -> memref<128xf32, #tpu.memory_space<vmem_shared>>
        %dma_start3A_483 = tpu.memref_slice %arg11[%add3A_301] : memref<512xf32, #tpu.memory_space<vmem_shared>> -> memref<128xf32, #tpu.memory_space<vmem_shared>>
        tpu.enqueue_dma source(%dma_start3A_483 : memref<128xf32, #tpu.memory_space<vmem_shared>>) target(%arg9 : memref<128xf32, #tpu.memory_space<vmem>>) target_semaphore(%run_scoped3A : memref<!tpu.dma_semaphore, #tpu.memory_space<semaphore_mem>>)
        %dma_wait3A = tpu.memref_slice %arg11[%add3A_301] : memref<512xf32, #tpu.memory_space<vmem_shared>> -> memref<128xf32, #tpu.memory_space<vmem_shared>>
        %dma_wait3A_484 = tpu.memref_slice %arg11[%add3A_301] : memref<512xf32, #tpu.memory_space<vmem_shared>> -> memref<128xf32, #tpu.memory_space<vmem_shared>>
        tpu.wait_dma2 semaphore(%run_scoped3A : memref<!tpu.dma_semaphore, #tpu.memory_space<semaphore_mem>>) src(%dma_wait3A_484 : memref<128xf32, #tpu.memory_space<vmem_shared>>) dst(%arg9 : memref<128xf32, #tpu.memory_space<vmem>>)
        tpu.yield
      }) : () -> ()
      %get3A_302 = arith.constant 0 : index
      %get3A_303 = tpu.vector_load %arg9[%get3A_302] {strides = array<i32>} : memref<128xf32, #tpu.memory_space<vmem>>, vector<16xf32>,
      %broadcast_in_dim3A_304 = arith.constant 0 : i32
      %broadcast_in_dim3A_305 = vector.broadcast %broadcast_in_dim3A_304 : i32 to vector<16xi32>
      %lt3A_306 = arith.constant 0 : i32
      %lt3A_307 = vector.broadcast %lt3A_306 : i32 to vector<16xi32>
      %lt3A_308 = arith.cmpi slt, %broadcast_in_dim3A_305, %lt3A_307 : vector<16xi32>
      %add3A_309 = arith.constant 16 : i32
      %add3A_310 = vector.broadcast %add3A_309 : i32 to vector<16xi32>
      %add3A_311 = arith.addi %broadcast_in_dim3A_305, %add3A_310 : vector<16xi32>
      %select_n3A_312 = arith.select %lt3A_308, %add3A_311, %broadcast_in_dim3A_305 : vector<16xi1>, vector<16xi32>
      %broadcast_in_dim3A_313 = vector.shape_cast %select_n3A_312 : vector<16xi32> to vector<16x1xi32>
      %gather3A_314 = vector.shape_cast %broadcast_in_dim3A_313 : vector<16x1xi32> to vector<16xi32>
      %gather3A_315 = tpu.dynamic_gather %get3A_303[%gather3A_314] in [0] : vector<16xf32>, vector<16xi32> -> vector<16xf32>
      %get3A_316 = arith.constant 16 : index
      %get3A_317 = tpu.vector_load %arg9[%get3A_316] {strides = array<i32>} : memref<128xf32, #tpu.memory_space<vmem>>, vector<16xf32>,
      %broadcast_in_dim3A_318 = arith.constant 0 : i32
      %broadcast_in_dim3A_319 = vector.broadcast %broadcast_in_dim3A_318 : i32 to vector<16xi32>
      %lt3A_320 = arith.constant 0 : i32
      %lt3A_321 = vector.broadcast %lt3A_320 : i32 to vector<16xi32>
      %lt3A_322 = arith.cmpi slt, %broadcast_in_dim3A_319, %lt3A_321 : vector<16xi32>
      %add3A_323 = arith.constant 16 : i32
      %add3A_324 = vector.broadcast %add3A_323 : i32 to vector<16xi32>
      %add3A_325 = arith.addi %broadcast_in_dim3A_319, %add3A_324 : vector<16xi32>
      %select_n3A_326 = arith.select %lt3A_322, %add3A_325, %broadcast_in_dim3A_319 : vector<16xi1>, vector<16xi32>
      %broadcast_in_dim3A_327 = vector.shape_cast %select_n3A_326 : vector<16xi32> to vector<16x1xi32>
      %gather3A_328 = vector.shape_cast %broadcast_in_dim3A_327 : vector<16x1xi32> to vector<16xi32>
      %gather3A_329 = tpu.dynamic_gather %get3A_317[%gather3A_328] in [0] : vector<16xf32>, vector<16xi32> -> vector<16xf32>
      %gt3A = arith.cmpf ogt, %gather3A_329, %gather3A_315 : vector<16xf32>
      %select_n3A_330 = arith.select %gt3A, %get3A_317, %get3A_303 : vector<16xi1>, vector<16xf32>
      %select_n3A_331 = arith.select %gt3A, %gather3A_329, %gather3A_315 : vector<16xi1>, vector<16xf32>
      %get3A_332 = arith.constant 32 : index
      %get3A_333 = tpu.vector_load %arg9[%get3A_332] {strides = array<i32>} : memref<128xf32, #tpu.memory_space<vmem>>, vector<16xf32>,
      %broadcast_in_dim3A_334 = arith.constant 0 : i32
      %broadcast_in_dim3A_335 = vector.broadcast %broadcast_in_dim3A_334 : i32 to vector<16xi32>
      %lt3A_336 = arith.constant 0 : i32
      %lt3A_337 = vector.broadcast %lt3A_336 : i32 to vector<16xi32>
      %lt3A_338 = arith.cmpi slt, %broadcast_in_dim3A_335, %lt3A_337 : vector<16xi32>
      %add3A_339 = arith.constant 16 : i32
      %add3A_340 = vector.broadcast %add3A_339 : i32 to vector<16xi32>
      %add3A_341 = arith.addi %broadcast_in_dim3A_335, %add3A_340 : vector<16xi32>
      %select_n3A_342 = arith.select %lt3A_338, %add3A_341, %broadcast_in_dim3A_335 : vector<16xi1>, vector<16xi32>
      %broadcast_in_dim3A_343 = vector.shape_cast %select_n3A_342 : vector<16xi32> to vector<16x1xi32>
      %gather3A_344 = vector.shape_cast %broadcast_in_dim3A_343 : vector<16x1xi32> to vector<16xi32>
      %gather3A_345 = tpu.dynamic_gather %get3A_333[%gather3A_344] in [0] : vector<16xf32>, vector<16xi32> -> vector<16xf32>
      %gt3A_346 = arith.cmpf ogt, %gather3A_345, %select_n3A_331 : vector<16xf32>
      %select_n3A_347 = arith.select %gt3A_346, %get3A_333, %select_n3A_330 : vector<16xi1>, vector<16xf32>
      %select_n3A_348 = arith.select %gt3A_346, %gather3A_345, %select_n3A_331 : vector<16xi1>, vector<16xf32>
      %get3A_349 = arith.constant 48 : index
      %get3A_350 = tpu.vector_load %arg9[%get3A_349] {strides = array<i32>} : memref<128xf32, #tpu.memory_space<vmem>>, vector<16xf32>,
      %broadcast_in_dim3A_351 = arith.constant 0 : i32
      %broadcast_in_dim3A_352 = vector.broadcast %broadcast_in_dim3A_351 : i32 to vector<16xi32>
      %lt3A_353 = arith.constant 0 : i32
      %lt3A_354 = vector.broadcast %lt3A_353 : i32 to vector<16xi32>
      %lt3A_355 = arith.cmpi slt, %broadcast_in_dim3A_352, %lt3A_354 : vector<16xi32>
      %add3A_356 = arith.constant 16 : i32
      %add3A_357 = vector.broadcast %add3A_356 : i32 to vector<16xi32>
      %add3A_358 = arith.addi %broadcast_in_dim3A_352, %add3A_357 : vector<16xi32>
      %select_n3A_359 = arith.select %lt3A_355, %add3A_358, %broadcast_in_dim3A_352 : vector<16xi1>, vector<16xi32>
      %broadcast_in_dim3A_360 = vector.shape_cast %select_n3A_359 : vector<16xi32> to vector<16x1xi32>
      %gather3A_361 = vector.shape_cast %broadcast_in_dim3A_360 : vector<16x1xi32> to vector<16xi32>
      %gather3A_362 = tpu.dynamic_gather %get3A_350[%gather3A_361] in [0] : vector<16xf32>, vector<16xi32> -> vector<16xf32>
      %gt3A_363 = arith.cmpf ogt, %gather3A_362, %select_n3A_348 : vector<16xf32>
      %select_n3A_364 = arith.select %gt3A_363, %get3A_350, %select_n3A_347 : vector<16xi1>, vector<16xf32>
      %select_n3A_365 = arith.select %gt3A_363, %gather3A_362, %select_n3A_348 : vector<16xi1>, vector<16xf32>
      %get3A_366 = arith.constant 64 : index
      %get3A_367 = tpu.vector_load %arg9[%get3A_366] {strides = array<i32>} : memref<128xf32, #tpu.memory_space<vmem>>, vector<16xf32>,
      %broadcast_in_dim3A_368 = arith.constant 0 : i32
      %broadcast_in_dim3A_369 = vector.broadcast %broadcast_in_dim3A_368 : i32 to vector<16xi32>
      %lt3A_370 = arith.constant 0 : i32
      %lt3A_371 = vector.broadcast %lt3A_370 : i32 to vector<16xi32>
      %lt3A_372 = arith.cmpi slt, %broadcast_in_dim3A_369, %lt3A_371 : vector<16xi32>
      %add3A_373 = arith.constant 16 : i32
      %add3A_374 = vector.broadcast %add3A_373 : i32 to vector<16xi32>
      %add3A_375 = arith.addi %broadcast_in_dim3A_369, %add3A_374 : vector<16xi32>
      %select_n3A_376 = arith.select %lt3A_372, %add3A_375, %broadcast_in_dim3A_369 : vector<16xi1>, vector<16xi32>
      %broadcast_in_dim3A_377 = vector.shape_cast %select_n3A_376 : vector<16xi32> to vector<16x1xi32>
      %gather3A_378 = vector.shape_cast %broadcast_in_dim3A_377 : vector<16x1xi32> to vector<16xi32>
      %gather3A_379 = tpu.dynamic_gather %get3A_367[%gather3A_378] in [0] : vector<16xf32>, vector<16xi32> -> vector<16xf32>
      %gt3A_380 = arith.cmpf ogt, %gather3A_379, %select_n3A_365 : vector<16xf32>
      %select_n3A_381 = arith.select %gt3A_380, %get3A_367, %select_n3A_364 : vector<16xi1>, vector<16xf32>
      %select_n3A_382 = arith.select %gt3A_380, %gather3A_379, %select_n3A_365 : vector<16xi1>, vector<16xf32>
      %get3A_383 = arith.constant 80 : index
      %get3A_384 = tpu.vector_load %arg9[%get3A_383] {strides = array<i32>} : memref<128xf32, #tpu.memory_space<vmem>>, vector<16xf32>,
      %broadcast_in_dim3A_385 = arith.constant 0 : i32
      %broadcast_in_dim3A_386 = vector.broadcast %broadcast_in_dim3A_385 : i32 to vector<16xi32>
      %lt3A_387 = arith.constant 0 : i32
      %lt3A_388 = vector.broadcast %lt3A_387 : i32 to vector<16xi32>
      %lt3A_389 = arith.cmpi slt, %broadcast_in_dim3A_386, %lt3A_388 : vector<16xi32>
      %add3A_390 = arith.constant 16 : i32
      %add3A_391 = vector.broadcast %add3A_390 : i32 to vector<16xi32>
      %add3A_392 = arith.addi %broadcast_in_dim3A_386, %add3A_391 : vector<16xi32>
      %select_n3A_393 = arith.select %lt3A_389, %add3A_392, %broadcast_in_dim3A_386 : vector<16xi1>, vector<16xi32>
      %broadcast_in_dim3A_394 = vector.shape_cast %select_n3A_393 : vector<16xi32> to vector<16x1xi32>
      %gather3A_395 = vector.shape_cast %broadcast_in_dim3A_394 : vector<16x1xi32> to vector<16xi32>
      %gather3A_396 = tpu.dynamic_gather %get3A_384[%gather3A_395] in [0] : vector<16xf32>, vector<16xi32> -> vector<16xf32>
      %gt3A_397 = arith.cmpf ogt, %gather3A_396, %select_n3A_382 : vector<16xf32>
      %select_n3A_398 = arith.select %gt3A_397, %get3A_384, %select_n3A_381 : vector<16xi1>, vector<16xf32>
      %select_n3A_399 = arith.select %gt3A_397, %gather3A_396, %select_n3A_382 : vector<16xi1>, vector<16xf32>
      %get3A_400 = arith.constant 96 : index
      %get3A_401 = tpu.vector_load %arg9[%get3A_400] {strides = array<i32>} : memref<128xf32, #tpu.memory_space<vmem>>, vector<16xf32>,
      %broadcast_in_dim3A_402 = arith.constant 0 : i32
      %broadcast_in_dim3A_403 = vector.broadcast %broadcast_in_dim3A_402 : i32 to vector<16xi32>
      %lt3A_404 = arith.constant 0 : i32
      %lt3A_405 = vector.broadcast %lt3A_404 : i32 to vector<16xi32>
      %lt3A_406 = arith.cmpi slt, %broadcast_in_dim3A_403, %lt3A_405 : vector<16xi32>
      %add3A_407 = arith.constant 16 : i32
      %add3A_408 = vector.broadcast %add3A_407 : i32 to vector<16xi32>
      %add3A_409 = arith.addi %broadcast_in_dim3A_403, %add3A_408 : vector<16xi32>
      %select_n3A_410 = arith.select %lt3A_406, %add3A_409, %broadcast_in_dim3A_403 : vector<16xi1>, vector<16xi32>
      %broadcast_in_dim3A_411 = vector.shape_cast %select_n3A_410 : vector<16xi32> to vector<16x1xi32>
      %gather3A_412 = vector.shape_cast %broadcast_in_dim3A_411 : vector<16x1xi32> to vector<16xi32>
      %gather3A_413 = tpu.dynamic_gather %get3A_401[%gather3A_412] in [0] : vector<16xf32>, vector<16xi32> -> vector<16xf32>
      %gt3A_414 = arith.cmpf ogt, %gather3A_413, %select_n3A_399 : vector<16xf32>
      %select_n3A_415 = arith.select %gt3A_414, %get3A_401, %select_n3A_398 : vector<16xi1>, vector<16xf32>
      %select_n3A_416 = arith.select %gt3A_414, %gather3A_413, %select_n3A_399 : vector<16xi1>, vector<16xf32>
      %get3A_417 = arith.constant 112 : index
      %get3A_418 = tpu.vector_load %arg9[%get3A_417] {strides = array<i32>} : memref<128xf32, #tpu.memory_space<vmem>>, vector<16xf32>,
      %broadcast_in_dim3A_419 = arith.constant 0 : i32
      %broadcast_in_dim3A_420 = vector.broadcast %broadcast_in_dim3A_419 : i32 to vector<16xi32>
      %lt3A_421 = arith.constant 0 : i32
      %lt3A_422 = vector.broadcast %lt3A_421 : i32 to vector<16xi32>
      %lt3A_423 = arith.cmpi slt, %broadcast_in_dim3A_420, %lt3A_422 : vector<16xi32>
      %add3A_424 = arith.constant 16 : i32
      %add3A_425 = vector.broadcast %add3A_424 : i32 to vector<16xi32>
      %add3A_426 = arith.addi %broadcast_in_dim3A_420, %add3A_425 : vector<16xi32>
      %select_n3A_427 = arith.select %lt3A_423, %add3A_426, %broadcast_in_dim3A_420 : vector<16xi1>, vector<16xi32>
      %broadcast_in_dim3A_428 = vector.shape_cast %select_n3A_427 : vector<16xi32> to vector<16x1xi32>
      %gather3A_429 = vector.shape_cast %broadcast_in_dim3A_428 : vector<16x1xi32> to vector<16xi32>
      %gather3A_430 = tpu.dynamic_gather %get3A_418[%gather3A_429] in [0] : vector<16xf32>, vector<16xi32> -> vector<16xf32>
      %gt3A_431 = arith.cmpf ogt, %gather3A_430, %select_n3A_416 : vector<16xf32>
      %select_n3A_432 = arith.select %gt3A_431, %get3A_418, %select_n3A_415 : vector<16xi1>, vector<16xf32>
      %select_n3A_433 = arith.select %gt3A_431, %gather3A_430, %select_n3A_416 : vector<16xi1>, vector<16xf32>
      %bitcast3A_434 = vector.bitcast %select_n3A_432 : vector<16xf32> to vector<16xi32>
      %broadcast_in_dim3A_435 = arith.constant 1 : i32
      %broadcast_in_dim3A_436 = vector.broadcast %broadcast_in_dim3A_435 : i32 to vector<16xi32>
      %lt3A_437 = arith.constant 0 : i32
      %lt3A_438 = vector.broadcast %lt3A_437 : i32 to vector<16xi32>
      %lt3A_439 = arith.cmpi slt, %broadcast_in_dim3A_436, %lt3A_438 : vector<16xi32>
      %add3A_440 = arith.constant 16 : i32
      %add3A_441 = vector.broadcast %add3A_440 : i32 to vector<16xi32>
      %add3A_442 = arith.addi %broadcast_in_dim3A_436, %add3A_441 : vector<16xi32>
      %select_n3A_443 = arith.select %lt3A_439, %add3A_442, %broadcast_in_dim3A_436 : vector<16xi1>, vector<16xi32>
      %broadcast_in_dim3A_444 = vector.shape_cast %select_n3A_443 : vector<16xi32> to vector<16x1xi32>
      %gather3A_445 = vector.shape_cast %broadcast_in_dim3A_444 : vector<16x1xi32> to vector<16xi32>
      %gather3A_446 = tpu.dynamic_gather %bitcast3A_434[%gather3A_445] in [0] : vector<16xi32>, vector<16xi32> -> vector<16xi32>
      %broadcast_in_dim3A_447 = arith.constant 2 : i32
      %broadcast_in_dim3A_448 = vector.broadcast %broadcast_in_dim3A_447 : i32 to vector<16xi32>
      %lt3A_449 = arith.constant 0 : i32
      %lt3A_450 = vector.broadcast %lt3A_449 : i32 to vector<16xi32>
      %lt3A_451 = arith.cmpi slt, %broadcast_in_dim3A_448, %lt3A_450 : vector<16xi32>
      %add3A_452 = arith.constant 16 : i32
      %add3A_453 = vector.broadcast %add3A_452 : i32 to vector<16xi32>
      %add3A_454 = arith.addi %broadcast_in_dim3A_448, %add3A_453 : vector<16xi32>
      %select_n3A_455 = arith.select %lt3A_451, %add3A_454, %broadcast_in_dim3A_448 : vector<16xi1>, vector<16xi32>
      %broadcast_in_dim3A_456 = vector.shape_cast %select_n3A_455 : vector<16xi32> to vector<16x1xi32>
      %gather3A_457 = vector.shape_cast %broadcast_in_dim3A_456 : vector<16x1xi32> to vector<16xi32>
      %gather3A_458 = tpu.dynamic_gather %select_n3A_432[%gather3A_457] in [0] : vector<16xf32>, vector<16xi32> -> vector<16xf32>
      %broadcast_in_dim3A_459 = arith.constant 3 : i32
      %broadcast_in_dim3A_460 = vector.broadcast %broadcast_in_dim3A_459 : i32 to vector<16xi32>
      %lt3A_461 = arith.constant 0 : i32
      %lt3A_462 = vector.broadcast %lt3A_461 : i32 to vector<16xi32>
      %lt3A_463 = arith.cmpi slt, %broadcast_in_dim3A_460, %lt3A_462 : vector<16xi32>
      %add3A_464 = arith.constant 16 : i32
      %add3A_465 = vector.broadcast %add3A_464 : i32 to vector<16xi32>
      %add3A_466 = arith.addi %broadcast_in_dim3A_460, %add3A_465 : vector<16xi32>
      %select_n3A_467 = arith.select %lt3A_463, %add3A_466, %broadcast_in_dim3A_460 : vector<16xi1>, vector<16xi32>
      %broadcast_in_dim3A_468 = vector.shape_cast %select_n3A_467 : vector<16xi32> to vector<16x1xi32>
      %gather3A_469 = vector.shape_cast %broadcast_in_dim3A_468 : vector<16x1xi32> to vector<16xi32>
      %gather3A_470 = tpu.dynamic_gather %select_n3A_432[%gather3A_469] in [0] : vector<16xf32>, vector<16xi32> -> vector<16xf32>
      %broadcast_in_dim3A_471 = arith.constant 4 : i32
      %broadcast_in_dim3A_472 = vector.broadcast %broadcast_in_dim3A_471 : i32 to vector<16xi32>
      %lt3A_473 = arith.constant 0 : i32
      %lt3A_474 = vector.broadcast %lt3A_473 : i32 to vector<16xi32>
      %lt3A_475 = arith.cmpi slt, %broadcast_in_dim3A_472, %lt3A_474 : vector<16xi32>
      %add3A_476 = arith.constant 16 : i32
      %add3A_477 = vector.broadcast %add3A_476 : i32 to vector<16xi32>
      %add3A_478 = arith.addi %broadcast_in_dim3A_472, %add3A_477 : vector<16xi32>
      %select_n3A_479 = arith.select %lt3A_475, %add3A_478, %broadcast_in_dim3A_472 : vector<16xi1>, vector<16xi32>
      %broadcast_in_dim3A_480 = vector.shape_cast %select_n3A_479 : vector<16xi32> to vector<16x1xi32>
      %gather3A_481 = vector.shape_cast %broadcast_in_dim3A_480 : vector<16x1xi32> to vector<16xi32>
      %gather3A_482 = tpu.dynamic_gather %select_n3A_432[%gather3A_481] in [0] : vector<16xf32>, vector<16xi32> -> vector<16xf32>
      scf.yield %gather3A_458, %gather3A_470, %gather3A_482, %gather3A_446 : vector<16xf32>, vector<16xf32>, vector<16xf32>, vector<16xi32>
    }
    %scan3A_122 = arith.constant 2048 : i32
    %eq3A_123 = arith.constant 0 : i32
    %eq3A_124 = arith.cmpi eq, %select_n3A_30, %eq3A_123 : i32
    %convert_element_type3A = arith.extui %eq3A_124 : i1 to i32
    %cond3A = arith.constant 0 : i32
    %cond3A_125 = arith.cmpi ne, %convert_element_type3A, %cond3A : i32
    scf.if %cond3A_125 {
      %mul3A_126 = arith.constant 2048 : i32
      %mul3A_127 = arith.muli %select_n3A, %mul3A_126 : i32
      "tpu.region"() ({
        %run_scoped3A = tpu.sem_alloc : memref<!tpu.dma_semaphore, #tpu.memory_space<semaphore_mem>>
        %dma_start3A = tpu.memref_slice %arg3[%mul3A_127] : memref<8192xi32, #tpu.memory_space<hbm>> -> memref<2048xi32, #tpu.memory_space<hbm>>
        %dma_start3A_128 = tpu.memref_slice %arg3[%mul3A_127] : memref<8192xi32, #tpu.memory_space<hbm>> -> memref<2048xi32, #tpu.memory_space<hbm>>
        tpu.enqueue_dma source(%arg10 : memref<2048xi32, #tpu.memory_space<vmem>>) target(%dma_start3A_128 : memref<2048xi32, #tpu.memory_space<hbm>>) target_semaphore(%run_scoped3A : memref<!tpu.dma_semaphore, #tpu.memory_space<semaphore_mem>>)
        %dma_wait3A = tpu.memref_slice %arg3[%mul3A_127] : memref<8192xi32, #tpu.memory_space<hbm>> -> memref<2048xi32, #tpu.memory_space<hbm>>
        %dma_wait3A_129 = tpu.memref_slice %arg3[%mul3A_127] : memref<8192xi32, #tpu.memory_space<hbm>> -> memref<2048xi32, #tpu.memory_space<hbm>>
        tpu.wait_dma2 semaphore(%run_scoped3A : memref<!tpu.dma_semaphore, #tpu.memory_space<semaphore_mem>>) src(%arg10 : memref<2048xi32, #tpu.memory_space<vmem>>) dst(%dma_wait3A_129 : memref<2048xi32, #tpu.memory_space<hbm>>)
        tpu.yield
      }) : () -> ()
    } else {
    }
    return
  }
}

module attributes {stable_mosaic.version = 14 : i64} {
  func.func @_fps_tc_body(%arg0: memref<4x16384xf32, #tpu.memory_space<vmem>>, %arg1: memref<4x16384xf32, #tpu.memory_space<vmem>>, %arg2: memref<4x16384xf32, #tpu.memory_space<vmem>>, %arg3: memref<2048x4xi32, #tpu.memory_space<vmem>>, %arg4: memref<4x16384xf32, #tpu.memory_space<vmem>>) attributes {dimension_semantics = [], scalar_prefetch = 0 : i64, scratch_operands = 1 : i64, tpu.core_type = #tpu.core_type<tc>} {
    %iota3A = tpu.iota {dimensions = array<i32: 1>} : vector<4x512xi32>
    %broadcast_in_dim3A = arith.constant 0x7F800000 : f32
    %broadcast_in_dim3A_0 = vector.broadcast %broadcast_in_dim3A : f32 to vector<4x16384xf32>
    %swap3A = arith.constant 0 : index
    %swap3A_1 = arith.constant 0 : index
    %swap3A_2 = vector.load %arg4[%swap3A, %swap3A_1] : memref<4x16384xf32, #tpu.memory_space<vmem>>, vector<4x16384xf32>
    tpu.vector_store %arg4[%swap3A, %swap3A_1], %broadcast_in_dim3A_0 {strides = array<i32>} : memref<4x16384xf32, #tpu.memory_space<vmem>>, vector<4x16384xf32>,
    %get3A = arith.constant 0 : index
    %get3A_3 = arith.constant 0 : index
    %get3A_4 = vector.load %arg0[%get3A, %get3A_3] : memref<4x16384xf32, #tpu.memory_space<vmem>>, vector<4x512xf32>
    %slice3A = vector.extract_strided_slice %get3A_4 {offsets = [0, 0], sizes = [4, 1], strides = [1, 1]} : vector<4x512xf32> to vector<4x1xf32>
    %get3A_5 = arith.constant 0 : index
    %get3A_6 = arith.constant 0 : index
    %get3A_7 = vector.load %arg1[%get3A_5, %get3A_6] : memref<4x16384xf32, #tpu.memory_space<vmem>>, vector<4x512xf32>
    %slice3A_8 = vector.extract_strided_slice %get3A_7 {offsets = [0, 0], sizes = [4, 1], strides = [1, 1]} : vector<4x512xf32> to vector<4x1xf32>
    %get3A_9 = arith.constant 0 : index
    %get3A_10 = arith.constant 0 : index
    %get3A_11 = vector.load %arg2[%get3A_9, %get3A_10] : memref<4x16384xf32, #tpu.memory_space<vmem>>, vector<4x512xf32>
    %slice3A_12 = vector.extract_strided_slice %get3A_11 {offsets = [0, 0], sizes = [4, 1], strides = [1, 1]} : vector<4x512xf32> to vector<4x1xf32>
    %broadcast_in_dim3A_13 = arith.constant 0 : i32
    %broadcast_in_dim3A_14 = vector.broadcast %broadcast_in_dim3A_13 : i32 to vector<4x1xi32>
    %scan3A = arith.constant 0 : i32
    %scan3A_15 = arith.constant 2048 : i32
    %scan3A_16 = arith.addi %scan3A, %scan3A_15 : i32
    %scan3A_17 = arith.constant 1 : i32
    %scan3A_18:4 = scf.for %scan3A_20 = %scan3A to %scan3A_16 step %scan3A_17 iter_args(%scan3A_21 = %broadcast_in_dim3A_14, %scan3A_22 = %slice3A, %scan3A_23 = %slice3A_8, %scan3A_24 = %slice3A_12) -> (vector<4x1xi32>, vector<4x1xf32>, vector<4x1xf32>, vector<4x1xf32>)  : i32 {
      %reshape3A = vector.shape_cast %scan3A_21 : vector<4x1xi32> to vector<1x4xi32>
      %swap3A_25 = arith.index_cast %scan3A_20 : i32 to index
      %swap3A_26 = arith.constant 0 : index
      %swap3A_27 = vector.load %arg3[%swap3A_25, %swap3A_26] : memref<2048x4xi32, #tpu.memory_space<vmem>>, vector<1x4xi32>
      tpu.vector_store %arg3[%swap3A_25, %swap3A_26], %reshape3A {strides = array<i32>} : memref<2048x4xi32, #tpu.memory_space<vmem>>, vector<1x4xi32>,
      %broadcast_in_dim3A_28 = arith.constant 0xFF800000 : f32
      %broadcast_in_dim3A_29 = vector.broadcast %broadcast_in_dim3A_28 : f32 to vector<4x512xf32>
      %broadcast_in_dim3A_30 = arith.constant 0 : i32
      %broadcast_in_dim3A_31 = vector.broadcast %broadcast_in_dim3A_30 : i32 to vector<4x512xi32>
      %broadcast_in_dim3A_32 = arith.constant 0.000000e+00 : f32
      %broadcast_in_dim3A_33 = vector.broadcast %broadcast_in_dim3A_32 : f32 to vector<4x512xf32>
      %get3A_34 = arith.constant 0 : index
      %get3A_35 = arith.constant 0 : index
      %get3A_36 = vector.load %arg0[%get3A_34, %get3A_35] : memref<4x16384xf32, #tpu.memory_space<vmem>>, vector<4x512xf32>
      %get3A_37 = arith.constant 0 : index
      %get3A_38 = arith.constant 0 : index
      %get3A_39 = vector.load %arg1[%get3A_37, %get3A_38] : memref<4x16384xf32, #tpu.memory_space<vmem>>, vector<4x512xf32>
      %get3A_40 = arith.constant 0 : index
      %get3A_41 = arith.constant 0 : index
      %get3A_42 = vector.load %arg2[%get3A_40, %get3A_41] : memref<4x16384xf32, #tpu.memory_space<vmem>>, vector<4x512xf32>
      %sub3A = vector.broadcast %scan3A_22 : vector<4x1xf32> to vector<4x512xf32>
      %sub3A_43 = arith.subf %get3A_36, %sub3A : vector<4x512xf32>
      %sub3A_44 = vector.broadcast %scan3A_23 : vector<4x1xf32> to vector<4x512xf32>
      %sub3A_45 = arith.subf %get3A_39, %sub3A_44 : vector<4x512xf32>
      %sub3A_46 = vector.broadcast %scan3A_24 : vector<4x1xf32> to vector<4x512xf32>
      %sub3A_47 = arith.subf %get3A_42, %sub3A_46 : vector<4x512xf32>
      %mul3A = arith.mulf %sub3A_43, %sub3A_43 : vector<4x512xf32>
      %mul3A_48 = arith.mulf %sub3A_45, %sub3A_45 : vector<4x512xf32>
      %add3A = arith.addf %mul3A, %mul3A_48 : vector<4x512xf32>
      %mul3A_49 = arith.mulf %sub3A_47, %sub3A_47 : vector<4x512xf32>
      %add3A_50 = arith.addf %add3A, %mul3A_49 : vector<4x512xf32>
      %get3A_51 = arith.constant 0 : index
      %get3A_52 = arith.constant 0 : index
      %get3A_53 = vector.load %arg4[%get3A_51, %get3A_52] : memref<4x16384xf32, #tpu.memory_space<vmem>>, vector<4x512xf32>
      %min3A = arith.minimumf %get3A_53, %add3A_50 : vector<4x512xf32>
      %swap3A_54 = arith.constant 0 : index
      %swap3A_55 = arith.constant 0 : index
      %swap3A_56 = vector.load %arg4[%swap3A_54, %swap3A_55] : memref<4x16384xf32, #tpu.memory_space<vmem>>, vector<4x512xf32>
      tpu.vector_store %arg4[%swap3A_54, %swap3A_55], %min3A {strides = array<i32>} : memref<4x16384xf32, #tpu.memory_space<vmem>>, vector<4x512xf32>,
      %gt3A = arith.cmpf ogt, %min3A, %broadcast_in_dim3A_29 : vector<4x512xf32>
      %select_n3A = arith.select %gt3A, %min3A, %broadcast_in_dim3A_29 : vector<4x512xi1>, vector<4x512xf32>
      %add3A_57 = arith.constant 0 : i32
      %add3A_58 = vector.broadcast %add3A_57 : i32 to vector<4x512xi32>
      %add3A_59 = arith.addi %iota3A, %add3A_58 : vector<4x512xi32>
      %select_n3A_60 = arith.select %gt3A, %add3A_59, %broadcast_in_dim3A_31 : vector<4x512xi1>, vector<4x512xi32>
      %select_n3A_61 = arith.select %gt3A, %get3A_36, %broadcast_in_dim3A_33 : vector<4x512xi1>, vector<4x512xf32>
      %select_n3A_62 = arith.select %gt3A, %get3A_39, %broadcast_in_dim3A_33 : vector<4x512xi1>, vector<4x512xf32>
      %select_n3A_63 = arith.select %gt3A, %get3A_42, %broadcast_in_dim3A_33 : vector<4x512xi1>, vector<4x512xf32>
      %get3A_64 = arith.constant 0 : index
      %get3A_65 = arith.constant 512 : index
      %get3A_66 = vector.load %arg0[%get3A_64, %get3A_65] : memref<4x16384xf32, #tpu.memory_space<vmem>>, vector<4x512xf32>
      %get3A_67 = arith.constant 0 : index
      %get3A_68 = arith.constant 512 : index
      %get3A_69 = vector.load %arg1[%get3A_67, %get3A_68] : memref<4x16384xf32, #tpu.memory_space<vmem>>, vector<4x512xf32>
      %get3A_70 = arith.constant 0 : index
      %get3A_71 = arith.constant 512 : index
      %get3A_72 = vector.load %arg2[%get3A_70, %get3A_71] : memref<4x16384xf32, #tpu.memory_space<vmem>>, vector<4x512xf32>
      %sub3A_73 = vector.broadcast %scan3A_22 : vector<4x1xf32> to vector<4x512xf32>
      %sub3A_74 = arith.subf %get3A_66, %sub3A_73 : vector<4x512xf32>
      %sub3A_75 = vector.broadcast %scan3A_23 : vector<4x1xf32> to vector<4x512xf32>
      %sub3A_76 = arith.subf %get3A_69, %sub3A_75 : vector<4x512xf32>
      %sub3A_77 = vector.broadcast %scan3A_24 : vector<4x1xf32> to vector<4x512xf32>
      %sub3A_78 = arith.subf %get3A_72, %sub3A_77 : vector<4x512xf32>
      %mul3A_79 = arith.mulf %sub3A_74, %sub3A_74 : vector<4x512xf32>
      %mul3A_80 = arith.mulf %sub3A_76, %sub3A_76 : vector<4x512xf32>
      %add3A_81 = arith.addf %mul3A_79, %mul3A_80 : vector<4x512xf32>
      %mul3A_82 = arith.mulf %sub3A_78, %sub3A_78 : vector<4x512xf32>
      %add3A_83 = arith.addf %add3A_81, %mul3A_82 : vector<4x512xf32>
      %get3A_84 = arith.constant 0 : index
      %get3A_85 = arith.constant 512 : index
      %get3A_86 = vector.load %arg4[%get3A_84, %get3A_85] : memref<4x16384xf32, #tpu.memory_space<vmem>>, vector<4x512xf32>
      %min3A_87 = arith.minimumf %get3A_86, %add3A_83 : vector<4x512xf32>
      %swap3A_88 = arith.constant 0 : index
      %swap3A_89 = arith.constant 512 : index
      %swap3A_90 = vector.load %arg4[%swap3A_88, %swap3A_89] : memref<4x16384xf32, #tpu.memory_space<vmem>>, vector<4x512xf32>
      tpu.vector_store %arg4[%swap3A_88, %swap3A_89], %min3A_87 {strides = array<i32>} : memref<4x16384xf32, #tpu.memory_space<vmem>>, vector<4x512xf32>,
      %gt3A_91 = arith.cmpf ogt, %min3A_87, %select_n3A : vector<4x512xf32>
      %select_n3A_92 = arith.select %gt3A_91, %min3A_87, %select_n3A : vector<4x512xi1>, vector<4x512xf32>
      %add3A_93 = arith.constant 512 : i32
      %add3A_94 = vector.broadcast %add3A_93 : i32 to vector<4x512xi32>
      %add3A_95 = arith.addi %iota3A, %add3A_94 : vector<4x512xi32>
      %select_n3A_96 = arith.select %gt3A_91, %add3A_95, %select_n3A_60 : vector<4x512xi1>, vector<4x512xi32>
      %select_n3A_97 = arith.select %gt3A_91, %get3A_66, %select_n3A_61 : vector<4x512xi1>, vector<4x512xf32>
      %select_n3A_98 = arith.select %gt3A_91, %get3A_69, %select_n3A_62 : vector<4x512xi1>, vector<4x512xf32>
      %select_n3A_99 = arith.select %gt3A_91, %get3A_72, %select_n3A_63 : vector<4x512xi1>, vector<4x512xf32>
      %get3A_100 = arith.constant 0 : index
      %get3A_101 = arith.constant 1024 : index
      %get3A_102 = vector.load %arg0[%get3A_100, %get3A_101] : memref<4x16384xf32, #tpu.memory_space<vmem>>, vector<4x512xf32>
      %get3A_103 = arith.constant 0 : index
      %get3A_104 = arith.constant 1024 : index
      %get3A_105 = vector.load %arg1[%get3A_103, %get3A_104] : memref<4x16384xf32, #tpu.memory_space<vmem>>, vector<4x512xf32>
      %get3A_106 = arith.constant 0 : index
      %get3A_107 = arith.constant 1024 : index
      %get3A_108 = vector.load %arg2[%get3A_106, %get3A_107] : memref<4x16384xf32, #tpu.memory_space<vmem>>, vector<4x512xf32>
      %sub3A_109 = vector.broadcast %scan3A_22 : vector<4x1xf32> to vector<4x512xf32>
      %sub3A_110 = arith.subf %get3A_102, %sub3A_109 : vector<4x512xf32>
      %sub3A_111 = vector.broadcast %scan3A_23 : vector<4x1xf32> to vector<4x512xf32>
      %sub3A_112 = arith.subf %get3A_105, %sub3A_111 : vector<4x512xf32>
      %sub3A_113 = vector.broadcast %scan3A_24 : vector<4x1xf32> to vector<4x512xf32>
      %sub3A_114 = arith.subf %get3A_108, %sub3A_113 : vector<4x512xf32>
      %mul3A_115 = arith.mulf %sub3A_110, %sub3A_110 : vector<4x512xf32>
      %mul3A_116 = arith.mulf %sub3A_112, %sub3A_112 : vector<4x512xf32>
      %add3A_117 = arith.addf %mul3A_115, %mul3A_116 : vector<4x512xf32>
      %mul3A_118 = arith.mulf %sub3A_114, %sub3A_114 : vector<4x512xf32>
      %add3A_119 = arith.addf %add3A_117, %mul3A_118 : vector<4x512xf32>
      %get3A_120 = arith.constant 0 : index
      %get3A_121 = arith.constant 1024 : index
      %get3A_122 = vector.load %arg4[%get3A_120, %get3A_121] : memref<4x16384xf32, #tpu.memory_space<vmem>>, vector<4x512xf32>
      %min3A_123 = arith.minimumf %get3A_122, %add3A_119 : vector<4x512xf32>
      %swap3A_124 = arith.constant 0 : index
      %swap3A_125 = arith.constant 1024 : index
      %swap3A_126 = vector.load %arg4[%swap3A_124, %swap3A_125] : memref<4x16384xf32, #tpu.memory_space<vmem>>, vector<4x512xf32>
      tpu.vector_store %arg4[%swap3A_124, %swap3A_125], %min3A_123 {strides = array<i32>} : memref<4x16384xf32, #tpu.memory_space<vmem>>, vector<4x512xf32>,
      %gt3A_127 = arith.cmpf ogt, %min3A_123, %select_n3A_92 : vector<4x512xf32>
      %select_n3A_128 = arith.select %gt3A_127, %min3A_123, %select_n3A_92 : vector<4x512xi1>, vector<4x512xf32>
      %add3A_129 = arith.constant 1024 : i32
      %add3A_130 = vector.broadcast %add3A_129 : i32 to vector<4x512xi32>
      %add3A_131 = arith.addi %iota3A, %add3A_130 : vector<4x512xi32>
      %select_n3A_132 = arith.select %gt3A_127, %add3A_131, %select_n3A_96 : vector<4x512xi1>, vector<4x512xi32>
      %select_n3A_133 = arith.select %gt3A_127, %get3A_102, %select_n3A_97 : vector<4x512xi1>, vector<4x512xf32>
      %select_n3A_134 = arith.select %gt3A_127, %get3A_105, %select_n3A_98 : vector<4x512xi1>, vector<4x512xf32>
      %select_n3A_135 = arith.select %gt3A_127, %get3A_108, %select_n3A_99 : vector<4x512xi1>, vector<4x512xf32>
      %get3A_136 = arith.constant 0 : index
      %get3A_137 = arith.constant 1536 : index
      %get3A_138 = vector.load %arg0[%get3A_136, %get3A_137] : memref<4x16384xf32, #tpu.memory_space<vmem>>, vector<4x512xf32>
      %get3A_139 = arith.constant 0 : index
      %get3A_140 = arith.constant 1536 : index
      %get3A_141 = vector.load %arg1[%get3A_139, %get3A_140] : memref<4x16384xf32, #tpu.memory_space<vmem>>, vector<4x512xf32>
      %get3A_142 = arith.constant 0 : index
      %get3A_143 = arith.constant 1536 : index
      %get3A_144 = vector.load %arg2[%get3A_142, %get3A_143] : memref<4x16384xf32, #tpu.memory_space<vmem>>, vector<4x512xf32>
      %sub3A_145 = vector.broadcast %scan3A_22 : vector<4x1xf32> to vector<4x512xf32>
      %sub3A_146 = arith.subf %get3A_138, %sub3A_145 : vector<4x512xf32>
      %sub3A_147 = vector.broadcast %scan3A_23 : vector<4x1xf32> to vector<4x512xf32>
      %sub3A_148 = arith.subf %get3A_141, %sub3A_147 : vector<4x512xf32>
      %sub3A_149 = vector.broadcast %scan3A_24 : vector<4x1xf32> to vector<4x512xf32>
      %sub3A_150 = arith.subf %get3A_144, %sub3A_149 : vector<4x512xf32>
      %mul3A_151 = arith.mulf %sub3A_146, %sub3A_146 : vector<4x512xf32>
      %mul3A_152 = arith.mulf %sub3A_148, %sub3A_148 : vector<4x512xf32>
      %add3A_153 = arith.addf %mul3A_151, %mul3A_152 : vector<4x512xf32>
      %mul3A_154 = arith.mulf %sub3A_150, %sub3A_150 : vector<4x512xf32>
      %add3A_155 = arith.addf %add3A_153, %mul3A_154 : vector<4x512xf32>
      %get3A_156 = arith.constant 0 : index
      %get3A_157 = arith.constant 1536 : index
      %get3A_158 = vector.load %arg4[%get3A_156, %get3A_157] : memref<4x16384xf32, #tpu.memory_space<vmem>>, vector<4x512xf32>
      %min3A_159 = arith.minimumf %get3A_158, %add3A_155 : vector<4x512xf32>
      %swap3A_160 = arith.constant 0 : index
      %swap3A_161 = arith.constant 1536 : index
      %swap3A_162 = vector.load %arg4[%swap3A_160, %swap3A_161] : memref<4x16384xf32, #tpu.memory_space<vmem>>, vector<4x512xf32>
      tpu.vector_store %arg4[%swap3A_160, %swap3A_161], %min3A_159 {strides = array<i32>} : memref<4x16384xf32, #tpu.memory_space<vmem>>, vector<4x512xf32>,
      %gt3A_163 = arith.cmpf ogt, %min3A_159, %select_n3A_128 : vector<4x512xf32>
      %select_n3A_164 = arith.select %gt3A_163, %min3A_159, %select_n3A_128 : vector<4x512xi1>, vector<4x512xf32>
      %add3A_165 = arith.constant 1536 : i32
      %add3A_166 = vector.broadcast %add3A_165 : i32 to vector<4x512xi32>
      %add3A_167 = arith.addi %iota3A, %add3A_166 : vector<4x512xi32>
      %select_n3A_168 = arith.select %gt3A_163, %add3A_167, %select_n3A_132 : vector<4x512xi1>, vector<4x512xi32>
      %select_n3A_169 = arith.select %gt3A_163, %get3A_138, %select_n3A_133 : vector<4x512xi1>, vector<4x512xf32>
      %select_n3A_170 = arith.select %gt3A_163, %get3A_141, %select_n3A_134 : vector<4x512xi1>, vector<4x512xf32>
      %select_n3A_171 = arith.select %gt3A_163, %get3A_144, %select_n3A_135 : vector<4x512xi1>, vector<4x512xf32>
      %get3A_172 = arith.constant 0 : index
      %get3A_173 = arith.constant 2048 : index
      %get3A_174 = vector.load %arg0[%get3A_172, %get3A_173] : memref<4x16384xf32, #tpu.memory_space<vmem>>, vector<4x512xf32>
      %get3A_175 = arith.constant 0 : index
      %get3A_176 = arith.constant 2048 : index
      %get3A_177 = vector.load %arg1[%get3A_175, %get3A_176] : memref<4x16384xf32, #tpu.memory_space<vmem>>, vector<4x512xf32>
      %get3A_178 = arith.constant 0 : index
      %get3A_179 = arith.constant 2048 : index
      %get3A_180 = vector.load %arg2[%get3A_178, %get3A_179] : memref<4x16384xf32, #tpu.memory_space<vmem>>, vector<4x512xf32>
      %sub3A_181 = vector.broadcast %scan3A_22 : vector<4x1xf32> to vector<4x512xf32>
      %sub3A_182 = arith.subf %get3A_174, %sub3A_181 : vector<4x512xf32>
      %sub3A_183 = vector.broadcast %scan3A_23 : vector<4x1xf32> to vector<4x512xf32>
      %sub3A_184 = arith.subf %get3A_177, %sub3A_183 : vector<4x512xf32>
      %sub3A_185 = vector.broadcast %scan3A_24 : vector<4x1xf32> to vector<4x512xf32>
      %sub3A_186 = arith.subf %get3A_180, %sub3A_185 : vector<4x512xf32>
      %mul3A_187 = arith.mulf %sub3A_182, %sub3A_182 : vector<4x512xf32>
      %mul3A_188 = arith.mulf %sub3A_184, %sub3A_184 : vector<4x512xf32>
      %add3A_189 = arith.addf %mul3A_187, %mul3A_188 : vector<4x512xf32>
      %mul3A_190 = arith.mulf %sub3A_186, %sub3A_186 : vector<4x512xf32>
      %add3A_191 = arith.addf %add3A_189, %mul3A_190 : vector<4x512xf32>
      %get3A_192 = arith.constant 0 : index
      %get3A_193 = arith.constant 2048 : index
      %get3A_194 = vector.load %arg4[%get3A_192, %get3A_193] : memref<4x16384xf32, #tpu.memory_space<vmem>>, vector<4x512xf32>
      %min3A_195 = arith.minimumf %get3A_194, %add3A_191 : vector<4x512xf32>
      %swap3A_196 = arith.constant 0 : index
      %swap3A_197 = arith.constant 2048 : index
      %swap3A_198 = vector.load %arg4[%swap3A_196, %swap3A_197] : memref<4x16384xf32, #tpu.memory_space<vmem>>, vector<4x512xf32>
      tpu.vector_store %arg4[%swap3A_196, %swap3A_197], %min3A_195 {strides = array<i32>} : memref<4x16384xf32, #tpu.memory_space<vmem>>, vector<4x512xf32>,
      %gt3A_199 = arith.cmpf ogt, %min3A_195, %select_n3A_164 : vector<4x512xf32>
      %select_n3A_200 = arith.select %gt3A_199, %min3A_195, %select_n3A_164 : vector<4x512xi1>, vector<4x512xf32>
      %add3A_201 = arith.constant 2048 : i32
      %add3A_202 = vector.broadcast %add3A_201 : i32 to vector<4x512xi32>
      %add3A_203 = arith.addi %iota3A, %add3A_202 : vector<4x512xi32>
      %select_n3A_204 = arith.select %gt3A_199, %add3A_203, %select_n3A_168 : vector<4x512xi1>, vector<4x512xi32>
      %select_n3A_205 = arith.select %gt3A_199, %get3A_174, %select_n3A_169 : vector<4x512xi1>, vector<4x512xf32>
      %select_n3A_206 = arith.select %gt3A_199, %get3A_177, %select_n3A_170 : vector<4x512xi1>, vector<4x512xf32>
      %select_n3A_207 = arith.select %gt3A_199, %get3A_180, %select_n3A_171 : vector<4x512xi1>, vector<4x512xf32>
      %get3A_208 = arith.constant 0 : index
      %get3A_209 = arith.constant 2560 : index
      %get3A_210 = vector.load %arg0[%get3A_208, %get3A_209] : memref<4x16384xf32, #tpu.memory_space<vmem>>, vector<4x512xf32>
      %get3A_211 = arith.constant 0 : index
      %get3A_212 = arith.constant 2560 : index
      %get3A_213 = vector.load %arg1[%get3A_211, %get3A_212] : memref<4x16384xf32, #tpu.memory_space<vmem>>, vector<4x512xf32>
      %get3A_214 = arith.constant 0 : index
      %get3A_215 = arith.constant 2560 : index
      %get3A_216 = vector.load %arg2[%get3A_214, %get3A_215] : memref<4x16384xf32, #tpu.memory_space<vmem>>, vector<4x512xf32>
      %sub3A_217 = vector.broadcast %scan3A_22 : vector<4x1xf32> to vector<4x512xf32>
      %sub3A_218 = arith.subf %get3A_210, %sub3A_217 : vector<4x512xf32>
      %sub3A_219 = vector.broadcast %scan3A_23 : vector<4x1xf32> to vector<4x512xf32>
      %sub3A_220 = arith.subf %get3A_213, %sub3A_219 : vector<4x512xf32>
      %sub3A_221 = vector.broadcast %scan3A_24 : vector<4x1xf32> to vector<4x512xf32>
      %sub3A_222 = arith.subf %get3A_216, %sub3A_221 : vector<4x512xf32>
      %mul3A_223 = arith.mulf %sub3A_218, %sub3A_218 : vector<4x512xf32>
      %mul3A_224 = arith.mulf %sub3A_220, %sub3A_220 : vector<4x512xf32>
      %add3A_225 = arith.addf %mul3A_223, %mul3A_224 : vector<4x512xf32>
      %mul3A_226 = arith.mulf %sub3A_222, %sub3A_222 : vector<4x512xf32>
      %add3A_227 = arith.addf %add3A_225, %mul3A_226 : vector<4x512xf32>
      %get3A_228 = arith.constant 0 : index
      %get3A_229 = arith.constant 2560 : index
      %get3A_230 = vector.load %arg4[%get3A_228, %get3A_229] : memref<4x16384xf32, #tpu.memory_space<vmem>>, vector<4x512xf32>
      %min3A_231 = arith.minimumf %get3A_230, %add3A_227 : vector<4x512xf32>
      %swap3A_232 = arith.constant 0 : index
      %swap3A_233 = arith.constant 2560 : index
      %swap3A_234 = vector.load %arg4[%swap3A_232, %swap3A_233] : memref<4x16384xf32, #tpu.memory_space<vmem>>, vector<4x512xf32>
      tpu.vector_store %arg4[%swap3A_232, %swap3A_233], %min3A_231 {strides = array<i32>} : memref<4x16384xf32, #tpu.memory_space<vmem>>, vector<4x512xf32>,
      %gt3A_235 = arith.cmpf ogt, %min3A_231, %select_n3A_200 : vector<4x512xf32>
      %select_n3A_236 = arith.select %gt3A_235, %min3A_231, %select_n3A_200 : vector<4x512xi1>, vector<4x512xf32>
      %add3A_237 = arith.constant 2560 : i32
      %add3A_238 = vector.broadcast %add3A_237 : i32 to vector<4x512xi32>
      %add3A_239 = arith.addi %iota3A, %add3A_238 : vector<4x512xi32>
      %select_n3A_240 = arith.select %gt3A_235, %add3A_239, %select_n3A_204 : vector<4x512xi1>, vector<4x512xi32>
      %select_n3A_241 = arith.select %gt3A_235, %get3A_210, %select_n3A_205 : vector<4x512xi1>, vector<4x512xf32>
      %select_n3A_242 = arith.select %gt3A_235, %get3A_213, %select_n3A_206 : vector<4x512xi1>, vector<4x512xf32>
      %select_n3A_243 = arith.select %gt3A_235, %get3A_216, %select_n3A_207 : vector<4x512xi1>, vector<4x512xf32>
      %get3A_244 = arith.constant 0 : index
      %get3A_245 = arith.constant 3072 : index
      %get3A_246 = vector.load %arg0[%get3A_244, %get3A_245] : memref<4x16384xf32, #tpu.memory_space<vmem>>, vector<4x512xf32>
      %get3A_247 = arith.constant 0 : index
      %get3A_248 = arith.constant 3072 : index
      %get3A_249 = vector.load %arg1[%get3A_247, %get3A_248] : memref<4x16384xf32, #tpu.memory_space<vmem>>, vector<4x512xf32>
      %get3A_250 = arith.constant 0 : index
      %get3A_251 = arith.constant 3072 : index
      %get3A_252 = vector.load %arg2[%get3A_250, %get3A_251] : memref<4x16384xf32, #tpu.memory_space<vmem>>, vector<4x512xf32>
      %sub3A_253 = vector.broadcast %scan3A_22 : vector<4x1xf32> to vector<4x512xf32>
      %sub3A_254 = arith.subf %get3A_246, %sub3A_253 : vector<4x512xf32>
      %sub3A_255 = vector.broadcast %scan3A_23 : vector<4x1xf32> to vector<4x512xf32>
      %sub3A_256 = arith.subf %get3A_249, %sub3A_255 : vector<4x512xf32>
      %sub3A_257 = vector.broadcast %scan3A_24 : vector<4x1xf32> to vector<4x512xf32>
      %sub3A_258 = arith.subf %get3A_252, %sub3A_257 : vector<4x512xf32>
      %mul3A_259 = arith.mulf %sub3A_254, %sub3A_254 : vector<4x512xf32>
      %mul3A_260 = arith.mulf %sub3A_256, %sub3A_256 : vector<4x512xf32>
      %add3A_261 = arith.addf %mul3A_259, %mul3A_260 : vector<4x512xf32>
      %mul3A_262 = arith.mulf %sub3A_258, %sub3A_258 : vector<4x512xf32>
      %add3A_263 = arith.addf %add3A_261, %mul3A_262 : vector<4x512xf32>
      %get3A_264 = arith.constant 0 : index
      %get3A_265 = arith.constant 3072 : index
      %get3A_266 = vector.load %arg4[%get3A_264, %get3A_265] : memref<4x16384xf32, #tpu.memory_space<vmem>>, vector<4x512xf32>
      %min3A_267 = arith.minimumf %get3A_266, %add3A_263 : vector<4x512xf32>
      %swap3A_268 = arith.constant 0 : index
      %swap3A_269 = arith.constant 3072 : index
      %swap3A_270 = vector.load %arg4[%swap3A_268, %swap3A_269] : memref<4x16384xf32, #tpu.memory_space<vmem>>, vector<4x512xf32>
      tpu.vector_store %arg4[%swap3A_268, %swap3A_269], %min3A_267 {strides = array<i32>} : memref<4x16384xf32, #tpu.memory_space<vmem>>, vector<4x512xf32>,
      %gt3A_271 = arith.cmpf ogt, %min3A_267, %select_n3A_236 : vector<4x512xf32>
      %select_n3A_272 = arith.select %gt3A_271, %min3A_267, %select_n3A_236 : vector<4x512xi1>, vector<4x512xf32>
      %add3A_273 = arith.constant 3072 : i32
      %add3A_274 = vector.broadcast %add3A_273 : i32 to vector<4x512xi32>
      %add3A_275 = arith.addi %iota3A, %add3A_274 : vector<4x512xi32>
      %select_n3A_276 = arith.select %gt3A_271, %add3A_275, %select_n3A_240 : vector<4x512xi1>, vector<4x512xi32>
      %select_n3A_277 = arith.select %gt3A_271, %get3A_246, %select_n3A_241 : vector<4x512xi1>, vector<4x512xf32>
      %select_n3A_278 = arith.select %gt3A_271, %get3A_249, %select_n3A_242 : vector<4x512xi1>, vector<4x512xf32>
      %select_n3A_279 = arith.select %gt3A_271, %get3A_252, %select_n3A_243 : vector<4x512xi1>, vector<4x512xf32>
      %get3A_280 = arith.constant 0 : index
      %get3A_281 = arith.constant 3584 : index
      %get3A_282 = vector.load %arg0[%get3A_280, %get3A_281] : memref<4x16384xf32, #tpu.memory_space<vmem>>, vector<4x512xf32>
      %get3A_283 = arith.constant 0 : index
      %get3A_284 = arith.constant 3584 : index
      %get3A_285 = vector.load %arg1[%get3A_283, %get3A_284] : memref<4x16384xf32, #tpu.memory_space<vmem>>, vector<4x512xf32>
      %get3A_286 = arith.constant 0 : index
      %get3A_287 = arith.constant 3584 : index
      %get3A_288 = vector.load %arg2[%get3A_286, %get3A_287] : memref<4x16384xf32, #tpu.memory_space<vmem>>, vector<4x512xf32>
      %sub3A_289 = vector.broadcast %scan3A_22 : vector<4x1xf32> to vector<4x512xf32>
      %sub3A_290 = arith.subf %get3A_282, %sub3A_289 : vector<4x512xf32>
      %sub3A_291 = vector.broadcast %scan3A_23 : vector<4x1xf32> to vector<4x512xf32>
      %sub3A_292 = arith.subf %get3A_285, %sub3A_291 : vector<4x512xf32>
      %sub3A_293 = vector.broadcast %scan3A_24 : vector<4x1xf32> to vector<4x512xf32>
      %sub3A_294 = arith.subf %get3A_288, %sub3A_293 : vector<4x512xf32>
      %mul3A_295 = arith.mulf %sub3A_290, %sub3A_290 : vector<4x512xf32>
      %mul3A_296 = arith.mulf %sub3A_292, %sub3A_292 : vector<4x512xf32>
      %add3A_297 = arith.addf %mul3A_295, %mul3A_296 : vector<4x512xf32>
      %mul3A_298 = arith.mulf %sub3A_294, %sub3A_294 : vector<4x512xf32>
      %add3A_299 = arith.addf %add3A_297, %mul3A_298 : vector<4x512xf32>
      %get3A_300 = arith.constant 0 : index
      %get3A_301 = arith.constant 3584 : index
      %get3A_302 = vector.load %arg4[%get3A_300, %get3A_301] : memref<4x16384xf32, #tpu.memory_space<vmem>>, vector<4x512xf32>
      %min3A_303 = arith.minimumf %get3A_302, %add3A_299 : vector<4x512xf32>
      %swap3A_304 = arith.constant 0 : index
      %swap3A_305 = arith.constant 3584 : index
      %swap3A_306 = vector.load %arg4[%swap3A_304, %swap3A_305] : memref<4x16384xf32, #tpu.memory_space<vmem>>, vector<4x512xf32>
      tpu.vector_store %arg4[%swap3A_304, %swap3A_305], %min3A_303 {strides = array<i32>} : memref<4x16384xf32, #tpu.memory_space<vmem>>, vector<4x512xf32>,
      %gt3A_307 = arith.cmpf ogt, %min3A_303, %select_n3A_272 : vector<4x512xf32>
      %select_n3A_308 = arith.select %gt3A_307, %min3A_303, %select_n3A_272 : vector<4x512xi1>, vector<4x512xf32>
      %add3A_309 = arith.constant 3584 : i32
      %add3A_310 = vector.broadcast %add3A_309 : i32 to vector<4x512xi32>
      %add3A_311 = arith.addi %iota3A, %add3A_310 : vector<4x512xi32>
      %select_n3A_312 = arith.select %gt3A_307, %add3A_311, %select_n3A_276 : vector<4x512xi1>, vector<4x512xi32>
      %select_n3A_313 = arith.select %gt3A_307, %get3A_282, %select_n3A_277 : vector<4x512xi1>, vector<4x512xf32>
      %select_n3A_314 = arith.select %gt3A_307, %get3A_285, %select_n3A_278 : vector<4x512xi1>, vector<4x512xf32>
      %select_n3A_315 = arith.select %gt3A_307, %get3A_288, %select_n3A_279 : vector<4x512xi1>, vector<4x512xf32>
      %get3A_316 = arith.constant 0 : index
      %get3A_317 = arith.constant 4096 : index
      %get3A_318 = vector.load %arg0[%get3A_316, %get3A_317] : memref<4x16384xf32, #tpu.memory_space<vmem>>, vector<4x512xf32>
      %get3A_319 = arith.constant 0 : index
      %get3A_320 = arith.constant 4096 : index
      %get3A_321 = vector.load %arg1[%get3A_319, %get3A_320] : memref<4x16384xf32, #tpu.memory_space<vmem>>, vector<4x512xf32>
      %get3A_322 = arith.constant 0 : index
      %get3A_323 = arith.constant 4096 : index
      %get3A_324 = vector.load %arg2[%get3A_322, %get3A_323] : memref<4x16384xf32, #tpu.memory_space<vmem>>, vector<4x512xf32>
      %sub3A_325 = vector.broadcast %scan3A_22 : vector<4x1xf32> to vector<4x512xf32>
      %sub3A_326 = arith.subf %get3A_318, %sub3A_325 : vector<4x512xf32>
      %sub3A_327 = vector.broadcast %scan3A_23 : vector<4x1xf32> to vector<4x512xf32>
      %sub3A_328 = arith.subf %get3A_321, %sub3A_327 : vector<4x512xf32>
      %sub3A_329 = vector.broadcast %scan3A_24 : vector<4x1xf32> to vector<4x512xf32>
      %sub3A_330 = arith.subf %get3A_324, %sub3A_329 : vector<4x512xf32>
      %mul3A_331 = arith.mulf %sub3A_326, %sub3A_326 : vector<4x512xf32>
      %mul3A_332 = arith.mulf %sub3A_328, %sub3A_328 : vector<4x512xf32>
      %add3A_333 = arith.addf %mul3A_331, %mul3A_332 : vector<4x512xf32>
      %mul3A_334 = arith.mulf %sub3A_330, %sub3A_330 : vector<4x512xf32>
      %add3A_335 = arith.addf %add3A_333, %mul3A_334 : vector<4x512xf32>
      %get3A_336 = arith.constant 0 : index
      %get3A_337 = arith.constant 4096 : index
      %get3A_338 = vector.load %arg4[%get3A_336, %get3A_337] : memref<4x16384xf32, #tpu.memory_space<vmem>>, vector<4x512xf32>
      %min3A_339 = arith.minimumf %get3A_338, %add3A_335 : vector<4x512xf32>
      %swap3A_340 = arith.constant 0 : index
      %swap3A_341 = arith.constant 4096 : index
      %swap3A_342 = vector.load %arg4[%swap3A_340, %swap3A_341] : memref<4x16384xf32, #tpu.memory_space<vmem>>, vector<4x512xf32>
      tpu.vector_store %arg4[%swap3A_340, %swap3A_341], %min3A_339 {strides = array<i32>} : memref<4x16384xf32, #tpu.memory_space<vmem>>, vector<4x512xf32>,
      %gt3A_343 = arith.cmpf ogt, %min3A_339, %select_n3A_308 : vector<4x512xf32>
      %select_n3A_344 = arith.select %gt3A_343, %min3A_339, %select_n3A_308 : vector<4x512xi1>, vector<4x512xf32>
      %add3A_345 = arith.constant 4096 : i32
      %add3A_346 = vector.broadcast %add3A_345 : i32 to vector<4x512xi32>
      %add3A_347 = arith.addi %iota3A, %add3A_346 : vector<4x512xi32>
      %select_n3A_348 = arith.select %gt3A_343, %add3A_347, %select_n3A_312 : vector<4x512xi1>, vector<4x512xi32>
      %select_n3A_349 = arith.select %gt3A_343, %get3A_318, %select_n3A_313 : vector<4x512xi1>, vector<4x512xf32>
      %select_n3A_350 = arith.select %gt3A_343, %get3A_321, %select_n3A_314 : vector<4x512xi1>, vector<4x512xf32>
      %select_n3A_351 = arith.select %gt3A_343, %get3A_324, %select_n3A_315 : vector<4x512xi1>, vector<4x512xf32>
      %get3A_352 = arith.constant 0 : index
      %get3A_353 = arith.constant 4608 : index
      %get3A_354 = vector.load %arg0[%get3A_352, %get3A_353] : memref<4x16384xf32, #tpu.memory_space<vmem>>, vector<4x512xf32>
      %get3A_355 = arith.constant 0 : index
      %get3A_356 = arith.constant 4608 : index
      %get3A_357 = vector.load %arg1[%get3A_355, %get3A_356] : memref<4x16384xf32, #tpu.memory_space<vmem>>, vector<4x512xf32>
      %get3A_358 = arith.constant 0 : index
      %get3A_359 = arith.constant 4608 : index
      %get3A_360 = vector.load %arg2[%get3A_358, %get3A_359] : memref<4x16384xf32, #tpu.memory_space<vmem>>, vector<4x512xf32>
      %sub3A_361 = vector.broadcast %scan3A_22 : vector<4x1xf32> to vector<4x512xf32>
      %sub3A_362 = arith.subf %get3A_354, %sub3A_361 : vector<4x512xf32>
      %sub3A_363 = vector.broadcast %scan3A_23 : vector<4x1xf32> to vector<4x512xf32>
      %sub3A_364 = arith.subf %get3A_357, %sub3A_363 : vector<4x512xf32>
      %sub3A_365 = vector.broadcast %scan3A_24 : vector<4x1xf32> to vector<4x512xf32>
      %sub3A_366 = arith.subf %get3A_360, %sub3A_365 : vector<4x512xf32>
      %mul3A_367 = arith.mulf %sub3A_362, %sub3A_362 : vector<4x512xf32>
      %mul3A_368 = arith.mulf %sub3A_364, %sub3A_364 : vector<4x512xf32>
      %add3A_369 = arith.addf %mul3A_367, %mul3A_368 : vector<4x512xf32>
      %mul3A_370 = arith.mulf %sub3A_366, %sub3A_366 : vector<4x512xf32>
      %add3A_371 = arith.addf %add3A_369, %mul3A_370 : vector<4x512xf32>
      %get3A_372 = arith.constant 0 : index
      %get3A_373 = arith.constant 4608 : index
      %get3A_374 = vector.load %arg4[%get3A_372, %get3A_373] : memref<4x16384xf32, #tpu.memory_space<vmem>>, vector<4x512xf32>
      %min3A_375 = arith.minimumf %get3A_374, %add3A_371 : vector<4x512xf32>
      %swap3A_376 = arith.constant 0 : index
      %swap3A_377 = arith.constant 4608 : index
      %swap3A_378 = vector.load %arg4[%swap3A_376, %swap3A_377] : memref<4x16384xf32, #tpu.memory_space<vmem>>, vector<4x512xf32>
      tpu.vector_store %arg4[%swap3A_376, %swap3A_377], %min3A_375 {strides = array<i32>} : memref<4x16384xf32, #tpu.memory_space<vmem>>, vector<4x512xf32>,
      %gt3A_379 = arith.cmpf ogt, %min3A_375, %select_n3A_344 : vector<4x512xf32>
      %select_n3A_380 = arith.select %gt3A_379, %min3A_375, %select_n3A_344 : vector<4x512xi1>, vector<4x512xf32>
      %add3A_381 = arith.constant 4608 : i32
      %add3A_382 = vector.broadcast %add3A_381 : i32 to vector<4x512xi32>
      %add3A_383 = arith.addi %iota3A, %add3A_382 : vector<4x512xi32>
      %select_n3A_384 = arith.select %gt3A_379, %add3A_383, %select_n3A_348 : vector<4x512xi1>, vector<4x512xi32>
      %select_n3A_385 = arith.select %gt3A_379, %get3A_354, %select_n3A_349 : vector<4x512xi1>, vector<4x512xf32>
      %select_n3A_386 = arith.select %gt3A_379, %get3A_357, %select_n3A_350 : vector<4x512xi1>, vector<4x512xf32>
      %select_n3A_387 = arith.select %gt3A_379, %get3A_360, %select_n3A_351 : vector<4x512xi1>, vector<4x512xf32>
      %get3A_388 = arith.constant 0 : index
      %get3A_389 = arith.constant 5120 : index
      %get3A_390 = vector.load %arg0[%get3A_388, %get3A_389] : memref<4x16384xf32, #tpu.memory_space<vmem>>, vector<4x512xf32>
      %get3A_391 = arith.constant 0 : index
      %get3A_392 = arith.constant 5120 : index
      %get3A_393 = vector.load %arg1[%get3A_391, %get3A_392] : memref<4x16384xf32, #tpu.memory_space<vmem>>, vector<4x512xf32>
      %get3A_394 = arith.constant 0 : index
      %get3A_395 = arith.constant 5120 : index
      %get3A_396 = vector.load %arg2[%get3A_394, %get3A_395] : memref<4x16384xf32, #tpu.memory_space<vmem>>, vector<4x512xf32>
      %sub3A_397 = vector.broadcast %scan3A_22 : vector<4x1xf32> to vector<4x512xf32>
      %sub3A_398 = arith.subf %get3A_390, %sub3A_397 : vector<4x512xf32>
      %sub3A_399 = vector.broadcast %scan3A_23 : vector<4x1xf32> to vector<4x512xf32>
      %sub3A_400 = arith.subf %get3A_393, %sub3A_399 : vector<4x512xf32>
      %sub3A_401 = vector.broadcast %scan3A_24 : vector<4x1xf32> to vector<4x512xf32>
      %sub3A_402 = arith.subf %get3A_396, %sub3A_401 : vector<4x512xf32>
      %mul3A_403 = arith.mulf %sub3A_398, %sub3A_398 : vector<4x512xf32>
      %mul3A_404 = arith.mulf %sub3A_400, %sub3A_400 : vector<4x512xf32>
      %add3A_405 = arith.addf %mul3A_403, %mul3A_404 : vector<4x512xf32>
      %mul3A_406 = arith.mulf %sub3A_402, %sub3A_402 : vector<4x512xf32>
      %add3A_407 = arith.addf %add3A_405, %mul3A_406 : vector<4x512xf32>
      %get3A_408 = arith.constant 0 : index
      %get3A_409 = arith.constant 5120 : index
      %get3A_410 = vector.load %arg4[%get3A_408, %get3A_409] : memref<4x16384xf32, #tpu.memory_space<vmem>>, vector<4x512xf32>
      %min3A_411 = arith.minimumf %get3A_410, %add3A_407 : vector<4x512xf32>
      %swap3A_412 = arith.constant 0 : index
      %swap3A_413 = arith.constant 5120 : index
      %swap3A_414 = vector.load %arg4[%swap3A_412, %swap3A_413] : memref<4x16384xf32, #tpu.memory_space<vmem>>, vector<4x512xf32>
      tpu.vector_store %arg4[%swap3A_412, %swap3A_413], %min3A_411 {strides = array<i32>} : memref<4x16384xf32, #tpu.memory_space<vmem>>, vector<4x512xf32>,
      %gt3A_415 = arith.cmpf ogt, %min3A_411, %select_n3A_380 : vector<4x512xf32>
      %select_n3A_416 = arith.select %gt3A_415, %min3A_411, %select_n3A_380 : vector<4x512xi1>, vector<4x512xf32>
      %add3A_417 = arith.constant 5120 : i32
      %add3A_418 = vector.broadcast %add3A_417 : i32 to vector<4x512xi32>
      %add3A_419 = arith.addi %iota3A, %add3A_418 : vector<4x512xi32>
      %select_n3A_420 = arith.select %gt3A_415, %add3A_419, %select_n3A_384 : vector<4x512xi1>, vector<4x512xi32>
      %select_n3A_421 = arith.select %gt3A_415, %get3A_390, %select_n3A_385 : vector<4x512xi1>, vector<4x512xf32>
      %select_n3A_422 = arith.select %gt3A_415, %get3A_393, %select_n3A_386 : vector<4x512xi1>, vector<4x512xf32>
      %select_n3A_423 = arith.select %gt3A_415, %get3A_396, %select_n3A_387 : vector<4x512xi1>, vector<4x512xf32>
      %get3A_424 = arith.constant 0 : index
      %get3A_425 = arith.constant 5632 : index
      %get3A_426 = vector.load %arg0[%get3A_424, %get3A_425] : memref<4x16384xf32, #tpu.memory_space<vmem>>, vector<4x512xf32>
      %get3A_427 = arith.constant 0 : index
      %get3A_428 = arith.constant 5632 : index
      %get3A_429 = vector.load %arg1[%get3A_427, %get3A_428] : memref<4x16384xf32, #tpu.memory_space<vmem>>, vector<4x512xf32>
      %get3A_430 = arith.constant 0 : index
      %get3A_431 = arith.constant 5632 : index
      %get3A_432 = vector.load %arg2[%get3A_430, %get3A_431] : memref<4x16384xf32, #tpu.memory_space<vmem>>, vector<4x512xf32>
      %sub3A_433 = vector.broadcast %scan3A_22 : vector<4x1xf32> to vector<4x512xf32>
      %sub3A_434 = arith.subf %get3A_426, %sub3A_433 : vector<4x512xf32>
      %sub3A_435 = vector.broadcast %scan3A_23 : vector<4x1xf32> to vector<4x512xf32>
      %sub3A_436 = arith.subf %get3A_429, %sub3A_435 : vector<4x512xf32>
      %sub3A_437 = vector.broadcast %scan3A_24 : vector<4x1xf32> to vector<4x512xf32>
      %sub3A_438 = arith.subf %get3A_432, %sub3A_437 : vector<4x512xf32>
      %mul3A_439 = arith.mulf %sub3A_434, %sub3A_434 : vector<4x512xf32>
      %mul3A_440 = arith.mulf %sub3A_436, %sub3A_436 : vector<4x512xf32>
      %add3A_441 = arith.addf %mul3A_439, %mul3A_440 : vector<4x512xf32>
      %mul3A_442 = arith.mulf %sub3A_438, %sub3A_438 : vector<4x512xf32>
      %add3A_443 = arith.addf %add3A_441, %mul3A_442 : vector<4x512xf32>
      %get3A_444 = arith.constant 0 : index
      %get3A_445 = arith.constant 5632 : index
      %get3A_446 = vector.load %arg4[%get3A_444, %get3A_445] : memref<4x16384xf32, #tpu.memory_space<vmem>>, vector<4x512xf32>
      %min3A_447 = arith.minimumf %get3A_446, %add3A_443 : vector<4x512xf32>
      %swap3A_448 = arith.constant 0 : index
      %swap3A_449 = arith.constant 5632 : index
      %swap3A_450 = vector.load %arg4[%swap3A_448, %swap3A_449] : memref<4x16384xf32, #tpu.memory_space<vmem>>, vector<4x512xf32>
      tpu.vector_store %arg4[%swap3A_448, %swap3A_449], %min3A_447 {strides = array<i32>} : memref<4x16384xf32, #tpu.memory_space<vmem>>, vector<4x512xf32>,
      %gt3A_451 = arith.cmpf ogt, %min3A_447, %select_n3A_416 : vector<4x512xf32>
      %select_n3A_452 = arith.select %gt3A_451, %min3A_447, %select_n3A_416 : vector<4x512xi1>, vector<4x512xf32>
      %add3A_453 = arith.constant 5632 : i32
      %add3A_454 = vector.broadcast %add3A_453 : i32 to vector<4x512xi32>
      %add3A_455 = arith.addi %iota3A, %add3A_454 : vector<4x512xi32>
      %select_n3A_456 = arith.select %gt3A_451, %add3A_455, %select_n3A_420 : vector<4x512xi1>, vector<4x512xi32>
      %select_n3A_457 = arith.select %gt3A_451, %get3A_426, %select_n3A_421 : vector<4x512xi1>, vector<4x512xf32>
      %select_n3A_458 = arith.select %gt3A_451, %get3A_429, %select_n3A_422 : vector<4x512xi1>, vector<4x512xf32>
      %select_n3A_459 = arith.select %gt3A_451, %get3A_432, %select_n3A_423 : vector<4x512xi1>, vector<4x512xf32>
      %get3A_460 = arith.constant 0 : index
      %get3A_461 = arith.constant 6144 : index
      %get3A_462 = vector.load %arg0[%get3A_460, %get3A_461] : memref<4x16384xf32, #tpu.memory_space<vmem>>, vector<4x512xf32>
      %get3A_463 = arith.constant 0 : index
      %get3A_464 = arith.constant 6144 : index
      %get3A_465 = vector.load %arg1[%get3A_463, %get3A_464] : memref<4x16384xf32, #tpu.memory_space<vmem>>, vector<4x512xf32>
      %get3A_466 = arith.constant 0 : index
      %get3A_467 = arith.constant 6144 : index
      %get3A_468 = vector.load %arg2[%get3A_466, %get3A_467] : memref<4x16384xf32, #tpu.memory_space<vmem>>, vector<4x512xf32>
      %sub3A_469 = vector.broadcast %scan3A_22 : vector<4x1xf32> to vector<4x512xf32>
      %sub3A_470 = arith.subf %get3A_462, %sub3A_469 : vector<4x512xf32>
      %sub3A_471 = vector.broadcast %scan3A_23 : vector<4x1xf32> to vector<4x512xf32>
      %sub3A_472 = arith.subf %get3A_465, %sub3A_471 : vector<4x512xf32>
      %sub3A_473 = vector.broadcast %scan3A_24 : vector<4x1xf32> to vector<4x512xf32>
      %sub3A_474 = arith.subf %get3A_468, %sub3A_473 : vector<4x512xf32>
      %mul3A_475 = arith.mulf %sub3A_470, %sub3A_470 : vector<4x512xf32>
      %mul3A_476 = arith.mulf %sub3A_472, %sub3A_472 : vector<4x512xf32>
      %add3A_477 = arith.addf %mul3A_475, %mul3A_476 : vector<4x512xf32>
      %mul3A_478 = arith.mulf %sub3A_474, %sub3A_474 : vector<4x512xf32>
      %add3A_479 = arith.addf %add3A_477, %mul3A_478 : vector<4x512xf32>
      %get3A_480 = arith.constant 0 : index
      %get3A_481 = arith.constant 6144 : index
      %get3A_482 = vector.load %arg4[%get3A_480, %get3A_481] : memref<4x16384xf32, #tpu.memory_space<vmem>>, vector<4x512xf32>
      %min3A_483 = arith.minimumf %get3A_482, %add3A_479 : vector<4x512xf32>
      %swap3A_484 = arith.constant 0 : index
      %swap3A_485 = arith.constant 6144 : index
      %swap3A_486 = vector.load %arg4[%swap3A_484, %swap3A_485] : memref<4x16384xf32, #tpu.memory_space<vmem>>, vector<4x512xf32>
      tpu.vector_store %arg4[%swap3A_484, %swap3A_485], %min3A_483 {strides = array<i32>} : memref<4x16384xf32, #tpu.memory_space<vmem>>, vector<4x512xf32>,
      %gt3A_487 = arith.cmpf ogt, %min3A_483, %select_n3A_452 : vector<4x512xf32>
      %select_n3A_488 = arith.select %gt3A_487, %min3A_483, %select_n3A_452 : vector<4x512xi1>, vector<4x512xf32>
      %add3A_489 = arith.constant 6144 : i32
      %add3A_490 = vector.broadcast %add3A_489 : i32 to vector<4x512xi32>
      %add3A_491 = arith.addi %iota3A, %add3A_490 : vector<4x512xi32>
      %select_n3A_492 = arith.select %gt3A_487, %add3A_491, %select_n3A_456 : vector<4x512xi1>, vector<4x512xi32>
      %select_n3A_493 = arith.select %gt3A_487, %get3A_462, %select_n3A_457 : vector<4x512xi1>, vector<4x512xf32>
      %select_n3A_494 = arith.select %gt3A_487, %get3A_465, %select_n3A_458 : vector<4x512xi1>, vector<4x512xf32>
      %select_n3A_495 = arith.select %gt3A_487, %get3A_468, %select_n3A_459 : vector<4x512xi1>, vector<4x512xf32>
      %get3A_496 = arith.constant 0 : index
      %get3A_497 = arith.constant 6656 : index
      %get3A_498 = vector.load %arg0[%get3A_496, %get3A_497] : memref<4x16384xf32, #tpu.memory_space<vmem>>, vector<4x512xf32>
      %get3A_499 = arith.constant 0 : index
      %get3A_500 = arith.constant 6656 : index
      %get3A_501 = vector.load %arg1[%get3A_499, %get3A_500] : memref<4x16384xf32, #tpu.memory_space<vmem>>, vector<4x512xf32>
      %get3A_502 = arith.constant 0 : index
      %get3A_503 = arith.constant 6656 : index
      %get3A_504 = vector.load %arg2[%get3A_502, %get3A_503] : memref<4x16384xf32, #tpu.memory_space<vmem>>, vector<4x512xf32>
      %sub3A_505 = vector.broadcast %scan3A_22 : vector<4x1xf32> to vector<4x512xf32>
      %sub3A_506 = arith.subf %get3A_498, %sub3A_505 : vector<4x512xf32>
      %sub3A_507 = vector.broadcast %scan3A_23 : vector<4x1xf32> to vector<4x512xf32>
      %sub3A_508 = arith.subf %get3A_501, %sub3A_507 : vector<4x512xf32>
      %sub3A_509 = vector.broadcast %scan3A_24 : vector<4x1xf32> to vector<4x512xf32>
      %sub3A_510 = arith.subf %get3A_504, %sub3A_509 : vector<4x512xf32>
      %mul3A_511 = arith.mulf %sub3A_506, %sub3A_506 : vector<4x512xf32>
      %mul3A_512 = arith.mulf %sub3A_508, %sub3A_508 : vector<4x512xf32>
      %add3A_513 = arith.addf %mul3A_511, %mul3A_512 : vector<4x512xf32>
      %mul3A_514 = arith.mulf %sub3A_510, %sub3A_510 : vector<4x512xf32>
      %add3A_515 = arith.addf %add3A_513, %mul3A_514 : vector<4x512xf32>
      %get3A_516 = arith.constant 0 : index
      %get3A_517 = arith.constant 6656 : index
      %get3A_518 = vector.load %arg4[%get3A_516, %get3A_517] : memref<4x16384xf32, #tpu.memory_space<vmem>>, vector<4x512xf32>
      %min3A_519 = arith.minimumf %get3A_518, %add3A_515 : vector<4x512xf32>
      %swap3A_520 = arith.constant 0 : index
      %swap3A_521 = arith.constant 6656 : index
      %swap3A_522 = vector.load %arg4[%swap3A_520, %swap3A_521] : memref<4x16384xf32, #tpu.memory_space<vmem>>, vector<4x512xf32>
      tpu.vector_store %arg4[%swap3A_520, %swap3A_521], %min3A_519 {strides = array<i32>} : memref<4x16384xf32, #tpu.memory_space<vmem>>, vector<4x512xf32>,
      %gt3A_523 = arith.cmpf ogt, %min3A_519, %select_n3A_488 : vector<4x512xf32>
      %select_n3A_524 = arith.select %gt3A_523, %min3A_519, %select_n3A_488 : vector<4x512xi1>, vector<4x512xf32>
      %add3A_525 = arith.constant 6656 : i32
      %add3A_526 = vector.broadcast %add3A_525 : i32 to vector<4x512xi32>
      %add3A_527 = arith.addi %iota3A, %add3A_526 : vector<4x512xi32>
      %select_n3A_528 = arith.select %gt3A_523, %add3A_527, %select_n3A_492 : vector<4x512xi1>, vector<4x512xi32>
      %select_n3A_529 = arith.select %gt3A_523, %get3A_498, %select_n3A_493 : vector<4x512xi1>, vector<4x512xf32>
      %select_n3A_530 = arith.select %gt3A_523, %get3A_501, %select_n3A_494 : vector<4x512xi1>, vector<4x512xf32>
      %select_n3A_531 = arith.select %gt3A_523, %get3A_504, %select_n3A_495 : vector<4x512xi1>, vector<4x512xf32>
      %get3A_532 = arith.constant 0 : index
      %get3A_533 = arith.constant 7168 : index
      %get3A_534 = vector.load %arg0[%get3A_532, %get3A_533] : memref<4x16384xf32, #tpu.memory_space<vmem>>, vector<4x512xf32>
      %get3A_535 = arith.constant 0 : index
      %get3A_536 = arith.constant 7168 : index
      %get3A_537 = vector.load %arg1[%get3A_535, %get3A_536] : memref<4x16384xf32, #tpu.memory_space<vmem>>, vector<4x512xf32>
      %get3A_538 = arith.constant 0 : index
      %get3A_539 = arith.constant 7168 : index
      %get3A_540 = vector.load %arg2[%get3A_538, %get3A_539] : memref<4x16384xf32, #tpu.memory_space<vmem>>, vector<4x512xf32>
      %sub3A_541 = vector.broadcast %scan3A_22 : vector<4x1xf32> to vector<4x512xf32>
      %sub3A_542 = arith.subf %get3A_534, %sub3A_541 : vector<4x512xf32>
      %sub3A_543 = vector.broadcast %scan3A_23 : vector<4x1xf32> to vector<4x512xf32>
      %sub3A_544 = arith.subf %get3A_537, %sub3A_543 : vector<4x512xf32>
      %sub3A_545 = vector.broadcast %scan3A_24 : vector<4x1xf32> to vector<4x512xf32>
      %sub3A_546 = arith.subf %get3A_540, %sub3A_545 : vector<4x512xf32>
      %mul3A_547 = arith.mulf %sub3A_542, %sub3A_542 : vector<4x512xf32>
      %mul3A_548 = arith.mulf %sub3A_544, %sub3A_544 : vector<4x512xf32>
      %add3A_549 = arith.addf %mul3A_547, %mul3A_548 : vector<4x512xf32>
      %mul3A_550 = arith.mulf %sub3A_546, %sub3A_546 : vector<4x512xf32>
      %add3A_551 = arith.addf %add3A_549, %mul3A_550 : vector<4x512xf32>
      %get3A_552 = arith.constant 0 : index
      %get3A_553 = arith.constant 7168 : index
      %get3A_554 = vector.load %arg4[%get3A_552, %get3A_553] : memref<4x16384xf32, #tpu.memory_space<vmem>>, vector<4x512xf32>
      %min3A_555 = arith.minimumf %get3A_554, %add3A_551 : vector<4x512xf32>
      %swap3A_556 = arith.constant 0 : index
      %swap3A_557 = arith.constant 7168 : index
      %swap3A_558 = vector.load %arg4[%swap3A_556, %swap3A_557] : memref<4x16384xf32, #tpu.memory_space<vmem>>, vector<4x512xf32>
      tpu.vector_store %arg4[%swap3A_556, %swap3A_557], %min3A_555 {strides = array<i32>} : memref<4x16384xf32, #tpu.memory_space<vmem>>, vector<4x512xf32>,
      %gt3A_559 = arith.cmpf ogt, %min3A_555, %select_n3A_524 : vector<4x512xf32>
      %select_n3A_560 = arith.select %gt3A_559, %min3A_555, %select_n3A_524 : vector<4x512xi1>, vector<4x512xf32>
      %add3A_561 = arith.constant 7168 : i32
      %add3A_562 = vector.broadcast %add3A_561 : i32 to vector<4x512xi32>
      %add3A_563 = arith.addi %iota3A, %add3A_562 : vector<4x512xi32>
      %select_n3A_564 = arith.select %gt3A_559, %add3A_563, %select_n3A_528 : vector<4x512xi1>, vector<4x512xi32>
      %select_n3A_565 = arith.select %gt3A_559, %get3A_534, %select_n3A_529 : vector<4x512xi1>, vector<4x512xf32>
      %select_n3A_566 = arith.select %gt3A_559, %get3A_537, %select_n3A_530 : vector<4x512xi1>, vector<4x512xf32>
      %select_n3A_567 = arith.select %gt3A_559, %get3A_540, %select_n3A_531 : vector<4x512xi1>, vector<4x512xf32>
      %get3A_568 = arith.constant 0 : index
      %get3A_569 = arith.constant 7680 : index
      %get3A_570 = vector.load %arg0[%get3A_568, %get3A_569] : memref<4x16384xf32, #tpu.memory_space<vmem>>, vector<4x512xf32>
      %get3A_571 = arith.constant 0 : index
      %get3A_572 = arith.constant 7680 : index
      %get3A_573 = vector.load %arg1[%get3A_571, %get3A_572] : memref<4x16384xf32, #tpu.memory_space<vmem>>, vector<4x512xf32>
      %get3A_574 = arith.constant 0 : index
      %get3A_575 = arith.constant 7680 : index
      %get3A_576 = vector.load %arg2[%get3A_574, %get3A_575] : memref<4x16384xf32, #tpu.memory_space<vmem>>, vector<4x512xf32>
      %sub3A_577 = vector.broadcast %scan3A_22 : vector<4x1xf32> to vector<4x512xf32>
      %sub3A_578 = arith.subf %get3A_570, %sub3A_577 : vector<4x512xf32>
      %sub3A_579 = vector.broadcast %scan3A_23 : vector<4x1xf32> to vector<4x512xf32>
      %sub3A_580 = arith.subf %get3A_573, %sub3A_579 : vector<4x512xf32>
      %sub3A_581 = vector.broadcast %scan3A_24 : vector<4x1xf32> to vector<4x512xf32>
      %sub3A_582 = arith.subf %get3A_576, %sub3A_581 : vector<4x512xf32>
      %mul3A_583 = arith.mulf %sub3A_578, %sub3A_578 : vector<4x512xf32>
      %mul3A_584 = arith.mulf %sub3A_580, %sub3A_580 : vector<4x512xf32>
      %add3A_585 = arith.addf %mul3A_583, %mul3A_584 : vector<4x512xf32>
      %mul3A_586 = arith.mulf %sub3A_582, %sub3A_582 : vector<4x512xf32>
      %add3A_587 = arith.addf %add3A_585, %mul3A_586 : vector<4x512xf32>
      %get3A_588 = arith.constant 0 : index
      %get3A_589 = arith.constant 7680 : index
      %get3A_590 = vector.load %arg4[%get3A_588, %get3A_589] : memref<4x16384xf32, #tpu.memory_space<vmem>>, vector<4x512xf32>
      %min3A_591 = arith.minimumf %get3A_590, %add3A_587 : vector<4x512xf32>
      %swap3A_592 = arith.constant 0 : index
      %swap3A_593 = arith.constant 7680 : index
      %swap3A_594 = vector.load %arg4[%swap3A_592, %swap3A_593] : memref<4x16384xf32, #tpu.memory_space<vmem>>, vector<4x512xf32>
      tpu.vector_store %arg4[%swap3A_592, %swap3A_593], %min3A_591 {strides = array<i32>} : memref<4x16384xf32, #tpu.memory_space<vmem>>, vector<4x512xf32>,
      %gt3A_595 = arith.cmpf ogt, %min3A_591, %select_n3A_560 : vector<4x512xf32>
      %select_n3A_596 = arith.select %gt3A_595, %min3A_591, %select_n3A_560 : vector<4x512xi1>, vector<4x512xf32>
      %add3A_597 = arith.constant 7680 : i32
      %add3A_598 = vector.broadcast %add3A_597 : i32 to vector<4x512xi32>
      %add3A_599 = arith.addi %iota3A, %add3A_598 : vector<4x512xi32>
      %select_n3A_600 = arith.select %gt3A_595, %add3A_599, %select_n3A_564 : vector<4x512xi1>, vector<4x512xi32>
      %select_n3A_601 = arith.select %gt3A_595, %get3A_570, %select_n3A_565 : vector<4x512xi1>, vector<4x512xf32>
      %select_n3A_602 = arith.select %gt3A_595, %get3A_573, %select_n3A_566 : vector<4x512xi1>, vector<4x512xf32>
      %select_n3A_603 = arith.select %gt3A_595, %get3A_576, %select_n3A_567 : vector<4x512xi1>, vector<4x512xf32>
      %get3A_604 = arith.constant 0 : index
      %get3A_605 = arith.constant 8192 : index
      %get3A_606 = vector.load %arg0[%get3A_604, %get3A_605] : memref<4x16384xf32, #tpu.memory_space<vmem>>, vector<4x512xf32>
      %get3A_607 = arith.constant 0 : index
      %get3A_608 = arith.constant 8192 : index
      %get3A_609 = vector.load %arg1[%get3A_607, %get3A_608] : memref<4x16384xf32, #tpu.memory_space<vmem>>, vector<4x512xf32>
      %get3A_610 = arith.constant 0 : index
      %get3A_611 = arith.constant 8192 : index
      %get3A_612 = vector.load %arg2[%get3A_610, %get3A_611] : memref<4x16384xf32, #tpu.memory_space<vmem>>, vector<4x512xf32>
      %sub3A_613 = vector.broadcast %scan3A_22 : vector<4x1xf32> to vector<4x512xf32>
      %sub3A_614 = arith.subf %get3A_606, %sub3A_613 : vector<4x512xf32>
      %sub3A_615 = vector.broadcast %scan3A_23 : vector<4x1xf32> to vector<4x512xf32>
      %sub3A_616 = arith.subf %get3A_609, %sub3A_615 : vector<4x512xf32>
      %sub3A_617 = vector.broadcast %scan3A_24 : vector<4x1xf32> to vector<4x512xf32>
      %sub3A_618 = arith.subf %get3A_612, %sub3A_617 : vector<4x512xf32>
      %mul3A_619 = arith.mulf %sub3A_614, %sub3A_614 : vector<4x512xf32>
      %mul3A_620 = arith.mulf %sub3A_616, %sub3A_616 : vector<4x512xf32>
      %add3A_621 = arith.addf %mul3A_619, %mul3A_620 : vector<4x512xf32>
      %mul3A_622 = arith.mulf %sub3A_618, %sub3A_618 : vector<4x512xf32>
      %add3A_623 = arith.addf %add3A_621, %mul3A_622 : vector<4x512xf32>
      %get3A_624 = arith.constant 0 : index
      %get3A_625 = arith.constant 8192 : index
      %get3A_626 = vector.load %arg4[%get3A_624, %get3A_625] : memref<4x16384xf32, #tpu.memory_space<vmem>>, vector<4x512xf32>
      %min3A_627 = arith.minimumf %get3A_626, %add3A_623 : vector<4x512xf32>
      %swap3A_628 = arith.constant 0 : index
      %swap3A_629 = arith.constant 8192 : index
      %swap3A_630 = vector.load %arg4[%swap3A_628, %swap3A_629] : memref<4x16384xf32, #tpu.memory_space<vmem>>, vector<4x512xf32>
      tpu.vector_store %arg4[%swap3A_628, %swap3A_629], %min3A_627 {strides = array<i32>} : memref<4x16384xf32, #tpu.memory_space<vmem>>, vector<4x512xf32>,
      %gt3A_631 = arith.cmpf ogt, %min3A_627, %select_n3A_596 : vector<4x512xf32>
      %select_n3A_632 = arith.select %gt3A_631, %min3A_627, %select_n3A_596 : vector<4x512xi1>, vector<4x512xf32>
      %add3A_633 = arith.constant 8192 : i32
      %add3A_634 = vector.broadcast %add3A_633 : i32 to vector<4x512xi32>
      %add3A_635 = arith.addi %iota3A, %add3A_634 : vector<4x512xi32>
      %select_n3A_636 = arith.select %gt3A_631, %add3A_635, %select_n3A_600 : vector<4x512xi1>, vector<4x512xi32>
      %select_n3A_637 = arith.select %gt3A_631, %get3A_606, %select_n3A_601 : vector<4x512xi1>, vector<4x512xf32>
      %select_n3A_638 = arith.select %gt3A_631, %get3A_609, %select_n3A_602 : vector<4x512xi1>, vector<4x512xf32>
      %select_n3A_639 = arith.select %gt3A_631, %get3A_612, %select_n3A_603 : vector<4x512xi1>, vector<4x512xf32>
      %get3A_640 = arith.constant 0 : index
      %get3A_641 = arith.constant 8704 : index
      %get3A_642 = vector.load %arg0[%get3A_640, %get3A_641] : memref<4x16384xf32, #tpu.memory_space<vmem>>, vector<4x512xf32>
      %get3A_643 = arith.constant 0 : index
      %get3A_644 = arith.constant 8704 : index
      %get3A_645 = vector.load %arg1[%get3A_643, %get3A_644] : memref<4x16384xf32, #tpu.memory_space<vmem>>, vector<4x512xf32>
      %get3A_646 = arith.constant 0 : index
      %get3A_647 = arith.constant 8704 : index
      %get3A_648 = vector.load %arg2[%get3A_646, %get3A_647] : memref<4x16384xf32, #tpu.memory_space<vmem>>, vector<4x512xf32>
      %sub3A_649 = vector.broadcast %scan3A_22 : vector<4x1xf32> to vector<4x512xf32>
      %sub3A_650 = arith.subf %get3A_642, %sub3A_649 : vector<4x512xf32>
      %sub3A_651 = vector.broadcast %scan3A_23 : vector<4x1xf32> to vector<4x512xf32>
      %sub3A_652 = arith.subf %get3A_645, %sub3A_651 : vector<4x512xf32>
      %sub3A_653 = vector.broadcast %scan3A_24 : vector<4x1xf32> to vector<4x512xf32>
      %sub3A_654 = arith.subf %get3A_648, %sub3A_653 : vector<4x512xf32>
      %mul3A_655 = arith.mulf %sub3A_650, %sub3A_650 : vector<4x512xf32>
      %mul3A_656 = arith.mulf %sub3A_652, %sub3A_652 : vector<4x512xf32>
      %add3A_657 = arith.addf %mul3A_655, %mul3A_656 : vector<4x512xf32>
      %mul3A_658 = arith.mulf %sub3A_654, %sub3A_654 : vector<4x512xf32>
      %add3A_659 = arith.addf %add3A_657, %mul3A_658 : vector<4x512xf32>
      %get3A_660 = arith.constant 0 : index
      %get3A_661 = arith.constant 8704 : index
      %get3A_662 = vector.load %arg4[%get3A_660, %get3A_661] : memref<4x16384xf32, #tpu.memory_space<vmem>>, vector<4x512xf32>
      %min3A_663 = arith.minimumf %get3A_662, %add3A_659 : vector<4x512xf32>
      %swap3A_664 = arith.constant 0 : index
      %swap3A_665 = arith.constant 8704 : index
      %swap3A_666 = vector.load %arg4[%swap3A_664, %swap3A_665] : memref<4x16384xf32, #tpu.memory_space<vmem>>, vector<4x512xf32>
      tpu.vector_store %arg4[%swap3A_664, %swap3A_665], %min3A_663 {strides = array<i32>} : memref<4x16384xf32, #tpu.memory_space<vmem>>, vector<4x512xf32>,
      %gt3A_667 = arith.cmpf ogt, %min3A_663, %select_n3A_632 : vector<4x512xf32>
      %select_n3A_668 = arith.select %gt3A_667, %min3A_663, %select_n3A_632 : vector<4x512xi1>, vector<4x512xf32>
      %add3A_669 = arith.constant 8704 : i32
      %add3A_670 = vector.broadcast %add3A_669 : i32 to vector<4x512xi32>
      %add3A_671 = arith.addi %iota3A, %add3A_670 : vector<4x512xi32>
      %select_n3A_672 = arith.select %gt3A_667, %add3A_671, %select_n3A_636 : vector<4x512xi1>, vector<4x512xi32>
      %select_n3A_673 = arith.select %gt3A_667, %get3A_642, %select_n3A_637 : vector<4x512xi1>, vector<4x512xf32>
      %select_n3A_674 = arith.select %gt3A_667, %get3A_645, %select_n3A_638 : vector<4x512xi1>, vector<4x512xf32>
      %select_n3A_675 = arith.select %gt3A_667, %get3A_648, %select_n3A_639 : vector<4x512xi1>, vector<4x512xf32>
      %get3A_676 = arith.constant 0 : index
      %get3A_677 = arith.constant 9216 : index
      %get3A_678 = vector.load %arg0[%get3A_676, %get3A_677] : memref<4x16384xf32, #tpu.memory_space<vmem>>, vector<4x512xf32>
      %get3A_679 = arith.constant 0 : index
      %get3A_680 = arith.constant 9216 : index
      %get3A_681 = vector.load %arg1[%get3A_679, %get3A_680] : memref<4x16384xf32, #tpu.memory_space<vmem>>, vector<4x512xf32>
      %get3A_682 = arith.constant 0 : index
      %get3A_683 = arith.constant 9216 : index
      %get3A_684 = vector.load %arg2[%get3A_682, %get3A_683] : memref<4x16384xf32, #tpu.memory_space<vmem>>, vector<4x512xf32>
      %sub3A_685 = vector.broadcast %scan3A_22 : vector<4x1xf32> to vector<4x512xf32>
      %sub3A_686 = arith.subf %get3A_678, %sub3A_685 : vector<4x512xf32>
      %sub3A_687 = vector.broadcast %scan3A_23 : vector<4x1xf32> to vector<4x512xf32>
      %sub3A_688 = arith.subf %get3A_681, %sub3A_687 : vector<4x512xf32>
      %sub3A_689 = vector.broadcast %scan3A_24 : vector<4x1xf32> to vector<4x512xf32>
      %sub3A_690 = arith.subf %get3A_684, %sub3A_689 : vector<4x512xf32>
      %mul3A_691 = arith.mulf %sub3A_686, %sub3A_686 : vector<4x512xf32>
      %mul3A_692 = arith.mulf %sub3A_688, %sub3A_688 : vector<4x512xf32>
      %add3A_693 = arith.addf %mul3A_691, %mul3A_692 : vector<4x512xf32>
      %mul3A_694 = arith.mulf %sub3A_690, %sub3A_690 : vector<4x512xf32>
      %add3A_695 = arith.addf %add3A_693, %mul3A_694 : vector<4x512xf32>
      %get3A_696 = arith.constant 0 : index
      %get3A_697 = arith.constant 9216 : index
      %get3A_698 = vector.load %arg4[%get3A_696, %get3A_697] : memref<4x16384xf32, #tpu.memory_space<vmem>>, vector<4x512xf32>
      %min3A_699 = arith.minimumf %get3A_698, %add3A_695 : vector<4x512xf32>
      %swap3A_700 = arith.constant 0 : index
      %swap3A_701 = arith.constant 9216 : index
      %swap3A_702 = vector.load %arg4[%swap3A_700, %swap3A_701] : memref<4x16384xf32, #tpu.memory_space<vmem>>, vector<4x512xf32>
      tpu.vector_store %arg4[%swap3A_700, %swap3A_701], %min3A_699 {strides = array<i32>} : memref<4x16384xf32, #tpu.memory_space<vmem>>, vector<4x512xf32>,
      %gt3A_703 = arith.cmpf ogt, %min3A_699, %select_n3A_668 : vector<4x512xf32>
      %select_n3A_704 = arith.select %gt3A_703, %min3A_699, %select_n3A_668 : vector<4x512xi1>, vector<4x512xf32>
      %add3A_705 = arith.constant 9216 : i32
      %add3A_706 = vector.broadcast %add3A_705 : i32 to vector<4x512xi32>
      %add3A_707 = arith.addi %iota3A, %add3A_706 : vector<4x512xi32>
      %select_n3A_708 = arith.select %gt3A_703, %add3A_707, %select_n3A_672 : vector<4x512xi1>, vector<4x512xi32>
      %select_n3A_709 = arith.select %gt3A_703, %get3A_678, %select_n3A_673 : vector<4x512xi1>, vector<4x512xf32>
      %select_n3A_710 = arith.select %gt3A_703, %get3A_681, %select_n3A_674 : vector<4x512xi1>, vector<4x512xf32>
      %select_n3A_711 = arith.select %gt3A_703, %get3A_684, %select_n3A_675 : vector<4x512xi1>, vector<4x512xf32>
      %get3A_712 = arith.constant 0 : index
      %get3A_713 = arith.constant 9728 : index
      %get3A_714 = vector.load %arg0[%get3A_712, %get3A_713] : memref<4x16384xf32, #tpu.memory_space<vmem>>, vector<4x512xf32>
      %get3A_715 = arith.constant 0 : index
      %get3A_716 = arith.constant 9728 : index
      %get3A_717 = vector.load %arg1[%get3A_715, %get3A_716] : memref<4x16384xf32, #tpu.memory_space<vmem>>, vector<4x512xf32>
      %get3A_718 = arith.constant 0 : index
      %get3A_719 = arith.constant 9728 : index
      %get3A_720 = vector.load %arg2[%get3A_718, %get3A_719] : memref<4x16384xf32, #tpu.memory_space<vmem>>, vector<4x512xf32>
      %sub3A_721 = vector.broadcast %scan3A_22 : vector<4x1xf32> to vector<4x512xf32>
      %sub3A_722 = arith.subf %get3A_714, %sub3A_721 : vector<4x512xf32>
      %sub3A_723 = vector.broadcast %scan3A_23 : vector<4x1xf32> to vector<4x512xf32>
      %sub3A_724 = arith.subf %get3A_717, %sub3A_723 : vector<4x512xf32>
      %sub3A_725 = vector.broadcast %scan3A_24 : vector<4x1xf32> to vector<4x512xf32>
      %sub3A_726 = arith.subf %get3A_720, %sub3A_725 : vector<4x512xf32>
      %mul3A_727 = arith.mulf %sub3A_722, %sub3A_722 : vector<4x512xf32>
      %mul3A_728 = arith.mulf %sub3A_724, %sub3A_724 : vector<4x512xf32>
      %add3A_729 = arith.addf %mul3A_727, %mul3A_728 : vector<4x512xf32>
      %mul3A_730 = arith.mulf %sub3A_726, %sub3A_726 : vector<4x512xf32>
      %add3A_731 = arith.addf %add3A_729, %mul3A_730 : vector<4x512xf32>
      %get3A_732 = arith.constant 0 : index
      %get3A_733 = arith.constant 9728 : index
      %get3A_734 = vector.load %arg4[%get3A_732, %get3A_733] : memref<4x16384xf32, #tpu.memory_space<vmem>>, vector<4x512xf32>
      %min3A_735 = arith.minimumf %get3A_734, %add3A_731 : vector<4x512xf32>
      %swap3A_736 = arith.constant 0 : index
      %swap3A_737 = arith.constant 9728 : index
      %swap3A_738 = vector.load %arg4[%swap3A_736, %swap3A_737] : memref<4x16384xf32, #tpu.memory_space<vmem>>, vector<4x512xf32>
      tpu.vector_store %arg4[%swap3A_736, %swap3A_737], %min3A_735 {strides = array<i32>} : memref<4x16384xf32, #tpu.memory_space<vmem>>, vector<4x512xf32>,
      %gt3A_739 = arith.cmpf ogt, %min3A_735, %select_n3A_704 : vector<4x512xf32>
      %select_n3A_740 = arith.select %gt3A_739, %min3A_735, %select_n3A_704 : vector<4x512xi1>, vector<4x512xf32>
      %add3A_741 = arith.constant 9728 : i32
      %add3A_742 = vector.broadcast %add3A_741 : i32 to vector<4x512xi32>
      %add3A_743 = arith.addi %iota3A, %add3A_742 : vector<4x512xi32>
      %select_n3A_744 = arith.select %gt3A_739, %add3A_743, %select_n3A_708 : vector<4x512xi1>, vector<4x512xi32>
      %select_n3A_745 = arith.select %gt3A_739, %get3A_714, %select_n3A_709 : vector<4x512xi1>, vector<4x512xf32>
      %select_n3A_746 = arith.select %gt3A_739, %get3A_717, %select_n3A_710 : vector<4x512xi1>, vector<4x512xf32>
      %select_n3A_747 = arith.select %gt3A_739, %get3A_720, %select_n3A_711 : vector<4x512xi1>, vector<4x512xf32>
      %get3A_748 = arith.constant 0 : index
      %get3A_749 = arith.constant 10240 : index
      %get3A_750 = vector.load %arg0[%get3A_748, %get3A_749] : memref<4x16384xf32, #tpu.memory_space<vmem>>, vector<4x512xf32>
      %get3A_751 = arith.constant 0 : index
      %get3A_752 = arith.constant 10240 : index
      %get3A_753 = vector.load %arg1[%get3A_751, %get3A_752] : memref<4x16384xf32, #tpu.memory_space<vmem>>, vector<4x512xf32>
      %get3A_754 = arith.constant 0 : index
      %get3A_755 = arith.constant 10240 : index
      %get3A_756 = vector.load %arg2[%get3A_754, %get3A_755] : memref<4x16384xf32, #tpu.memory_space<vmem>>, vector<4x512xf32>
      %sub3A_757 = vector.broadcast %scan3A_22 : vector<4x1xf32> to vector<4x512xf32>
      %sub3A_758 = arith.subf %get3A_750, %sub3A_757 : vector<4x512xf32>
      %sub3A_759 = vector.broadcast %scan3A_23 : vector<4x1xf32> to vector<4x512xf32>
      %sub3A_760 = arith.subf %get3A_753, %sub3A_759 : vector<4x512xf32>
      %sub3A_761 = vector.broadcast %scan3A_24 : vector<4x1xf32> to vector<4x512xf32>
      %sub3A_762 = arith.subf %get3A_756, %sub3A_761 : vector<4x512xf32>
      %mul3A_763 = arith.mulf %sub3A_758, %sub3A_758 : vector<4x512xf32>
      %mul3A_764 = arith.mulf %sub3A_760, %sub3A_760 : vector<4x512xf32>
      %add3A_765 = arith.addf %mul3A_763, %mul3A_764 : vector<4x512xf32>
      %mul3A_766 = arith.mulf %sub3A_762, %sub3A_762 : vector<4x512xf32>
      %add3A_767 = arith.addf %add3A_765, %mul3A_766 : vector<4x512xf32>
      %get3A_768 = arith.constant 0 : index
      %get3A_769 = arith.constant 10240 : index
      %get3A_770 = vector.load %arg4[%get3A_768, %get3A_769] : memref<4x16384xf32, #tpu.memory_space<vmem>>, vector<4x512xf32>
      %min3A_771 = arith.minimumf %get3A_770, %add3A_767 : vector<4x512xf32>
      %swap3A_772 = arith.constant 0 : index
      %swap3A_773 = arith.constant 10240 : index
      %swap3A_774 = vector.load %arg4[%swap3A_772, %swap3A_773] : memref<4x16384xf32, #tpu.memory_space<vmem>>, vector<4x512xf32>
      tpu.vector_store %arg4[%swap3A_772, %swap3A_773], %min3A_771 {strides = array<i32>} : memref<4x16384xf32, #tpu.memory_space<vmem>>, vector<4x512xf32>,
      %gt3A_775 = arith.cmpf ogt, %min3A_771, %select_n3A_740 : vector<4x512xf32>
      %select_n3A_776 = arith.select %gt3A_775, %min3A_771, %select_n3A_740 : vector<4x512xi1>, vector<4x512xf32>
      %add3A_777 = arith.constant 10240 : i32
      %add3A_778 = vector.broadcast %add3A_777 : i32 to vector<4x512xi32>
      %add3A_779 = arith.addi %iota3A, %add3A_778 : vector<4x512xi32>
      %select_n3A_780 = arith.select %gt3A_775, %add3A_779, %select_n3A_744 : vector<4x512xi1>, vector<4x512xi32>
      %select_n3A_781 = arith.select %gt3A_775, %get3A_750, %select_n3A_745 : vector<4x512xi1>, vector<4x512xf32>
      %select_n3A_782 = arith.select %gt3A_775, %get3A_753, %select_n3A_746 : vector<4x512xi1>, vector<4x512xf32>
      %select_n3A_783 = arith.select %gt3A_775, %get3A_756, %select_n3A_747 : vector<4x512xi1>, vector<4x512xf32>
      %get3A_784 = arith.constant 0 : index
      %get3A_785 = arith.constant 10752 : index
      %get3A_786 = vector.load %arg0[%get3A_784, %get3A_785] : memref<4x16384xf32, #tpu.memory_space<vmem>>, vector<4x512xf32>
      %get3A_787 = arith.constant 0 : index
      %get3A_788 = arith.constant 10752 : index
      %get3A_789 = vector.load %arg1[%get3A_787, %get3A_788] : memref<4x16384xf32, #tpu.memory_space<vmem>>, vector<4x512xf32>
      %get3A_790 = arith.constant 0 : index
      %get3A_791 = arith.constant 10752 : index
      %get3A_792 = vector.load %arg2[%get3A_790, %get3A_791] : memref<4x16384xf32, #tpu.memory_space<vmem>>, vector<4x512xf32>
      %sub3A_793 = vector.broadcast %scan3A_22 : vector<4x1xf32> to vector<4x512xf32>
      %sub3A_794 = arith.subf %get3A_786, %sub3A_793 : vector<4x512xf32>
      %sub3A_795 = vector.broadcast %scan3A_23 : vector<4x1xf32> to vector<4x512xf32>
      %sub3A_796 = arith.subf %get3A_789, %sub3A_795 : vector<4x512xf32>
      %sub3A_797 = vector.broadcast %scan3A_24 : vector<4x1xf32> to vector<4x512xf32>
      %sub3A_798 = arith.subf %get3A_792, %sub3A_797 : vector<4x512xf32>
      %mul3A_799 = arith.mulf %sub3A_794, %sub3A_794 : vector<4x512xf32>
      %mul3A_800 = arith.mulf %sub3A_796, %sub3A_796 : vector<4x512xf32>
      %add3A_801 = arith.addf %mul3A_799, %mul3A_800 : vector<4x512xf32>
      %mul3A_802 = arith.mulf %sub3A_798, %sub3A_798 : vector<4x512xf32>
      %add3A_803 = arith.addf %add3A_801, %mul3A_802 : vector<4x512xf32>
      %get3A_804 = arith.constant 0 : index
      %get3A_805 = arith.constant 10752 : index
      %get3A_806 = vector.load %arg4[%get3A_804, %get3A_805] : memref<4x16384xf32, #tpu.memory_space<vmem>>, vector<4x512xf32>
      %min3A_807 = arith.minimumf %get3A_806, %add3A_803 : vector<4x512xf32>
      %swap3A_808 = arith.constant 0 : index
      %swap3A_809 = arith.constant 10752 : index
      %swap3A_810 = vector.load %arg4[%swap3A_808, %swap3A_809] : memref<4x16384xf32, #tpu.memory_space<vmem>>, vector<4x512xf32>
      tpu.vector_store %arg4[%swap3A_808, %swap3A_809], %min3A_807 {strides = array<i32>} : memref<4x16384xf32, #tpu.memory_space<vmem>>, vector<4x512xf32>,
      %gt3A_811 = arith.cmpf ogt, %min3A_807, %select_n3A_776 : vector<4x512xf32>
      %select_n3A_812 = arith.select %gt3A_811, %min3A_807, %select_n3A_776 : vector<4x512xi1>, vector<4x512xf32>
      %add3A_813 = arith.constant 10752 : i32
      %add3A_814 = vector.broadcast %add3A_813 : i32 to vector<4x512xi32>
      %add3A_815 = arith.addi %iota3A, %add3A_814 : vector<4x512xi32>
      %select_n3A_816 = arith.select %gt3A_811, %add3A_815, %select_n3A_780 : vector<4x512xi1>, vector<4x512xi32>
      %select_n3A_817 = arith.select %gt3A_811, %get3A_786, %select_n3A_781 : vector<4x512xi1>, vector<4x512xf32>
      %select_n3A_818 = arith.select %gt3A_811, %get3A_789, %select_n3A_782 : vector<4x512xi1>, vector<4x512xf32>
      %select_n3A_819 = arith.select %gt3A_811, %get3A_792, %select_n3A_783 : vector<4x512xi1>, vector<4x512xf32>
      %get3A_820 = arith.constant 0 : index
      %get3A_821 = arith.constant 11264 : index
      %get3A_822 = vector.load %arg0[%get3A_820, %get3A_821] : memref<4x16384xf32, #tpu.memory_space<vmem>>, vector<4x512xf32>
      %get3A_823 = arith.constant 0 : index
      %get3A_824 = arith.constant 11264 : index
      %get3A_825 = vector.load %arg1[%get3A_823, %get3A_824] : memref<4x16384xf32, #tpu.memory_space<vmem>>, vector<4x512xf32>
      %get3A_826 = arith.constant 0 : index
      %get3A_827 = arith.constant 11264 : index
      %get3A_828 = vector.load %arg2[%get3A_826, %get3A_827] : memref<4x16384xf32, #tpu.memory_space<vmem>>, vector<4x512xf32>
      %sub3A_829 = vector.broadcast %scan3A_22 : vector<4x1xf32> to vector<4x512xf32>
      %sub3A_830 = arith.subf %get3A_822, %sub3A_829 : vector<4x512xf32>
      %sub3A_831 = vector.broadcast %scan3A_23 : vector<4x1xf32> to vector<4x512xf32>
      %sub3A_832 = arith.subf %get3A_825, %sub3A_831 : vector<4x512xf32>
      %sub3A_833 = vector.broadcast %scan3A_24 : vector<4x1xf32> to vector<4x512xf32>
      %sub3A_834 = arith.subf %get3A_828, %sub3A_833 : vector<4x512xf32>
      %mul3A_835 = arith.mulf %sub3A_830, %sub3A_830 : vector<4x512xf32>
      %mul3A_836 = arith.mulf %sub3A_832, %sub3A_832 : vector<4x512xf32>
      %add3A_837 = arith.addf %mul3A_835, %mul3A_836 : vector<4x512xf32>
      %mul3A_838 = arith.mulf %sub3A_834, %sub3A_834 : vector<4x512xf32>
      %add3A_839 = arith.addf %add3A_837, %mul3A_838 : vector<4x512xf32>
      %get3A_840 = arith.constant 0 : index
      %get3A_841 = arith.constant 11264 : index
      %get3A_842 = vector.load %arg4[%get3A_840, %get3A_841] : memref<4x16384xf32, #tpu.memory_space<vmem>>, vector<4x512xf32>
      %min3A_843 = arith.minimumf %get3A_842, %add3A_839 : vector<4x512xf32>
      %swap3A_844 = arith.constant 0 : index
      %swap3A_845 = arith.constant 11264 : index
      %swap3A_846 = vector.load %arg4[%swap3A_844, %swap3A_845] : memref<4x16384xf32, #tpu.memory_space<vmem>>, vector<4x512xf32>
      tpu.vector_store %arg4[%swap3A_844, %swap3A_845], %min3A_843 {strides = array<i32>} : memref<4x16384xf32, #tpu.memory_space<vmem>>, vector<4x512xf32>,
      %gt3A_847 = arith.cmpf ogt, %min3A_843, %select_n3A_812 : vector<4x512xf32>
      %select_n3A_848 = arith.select %gt3A_847, %min3A_843, %select_n3A_812 : vector<4x512xi1>, vector<4x512xf32>
      %add3A_849 = arith.constant 11264 : i32
      %add3A_850 = vector.broadcast %add3A_849 : i32 to vector<4x512xi32>
      %add3A_851 = arith.addi %iota3A, %add3A_850 : vector<4x512xi32>
      %select_n3A_852 = arith.select %gt3A_847, %add3A_851, %select_n3A_816 : vector<4x512xi1>, vector<4x512xi32>
      %select_n3A_853 = arith.select %gt3A_847, %get3A_822, %select_n3A_817 : vector<4x512xi1>, vector<4x512xf32>
      %select_n3A_854 = arith.select %gt3A_847, %get3A_825, %select_n3A_818 : vector<4x512xi1>, vector<4x512xf32>
      %select_n3A_855 = arith.select %gt3A_847, %get3A_828, %select_n3A_819 : vector<4x512xi1>, vector<4x512xf32>
      %get3A_856 = arith.constant 0 : index
      %get3A_857 = arith.constant 11776 : index
      %get3A_858 = vector.load %arg0[%get3A_856, %get3A_857] : memref<4x16384xf32, #tpu.memory_space<vmem>>, vector<4x512xf32>
      %get3A_859 = arith.constant 0 : index
      %get3A_860 = arith.constant 11776 : index
      %get3A_861 = vector.load %arg1[%get3A_859, %get3A_860] : memref<4x16384xf32, #tpu.memory_space<vmem>>, vector<4x512xf32>
      %get3A_862 = arith.constant 0 : index
      %get3A_863 = arith.constant 11776 : index
      %get3A_864 = vector.load %arg2[%get3A_862, %get3A_863] : memref<4x16384xf32, #tpu.memory_space<vmem>>, vector<4x512xf32>
      %sub3A_865 = vector.broadcast %scan3A_22 : vector<4x1xf32> to vector<4x512xf32>
      %sub3A_866 = arith.subf %get3A_858, %sub3A_865 : vector<4x512xf32>
      %sub3A_867 = vector.broadcast %scan3A_23 : vector<4x1xf32> to vector<4x512xf32>
      %sub3A_868 = arith.subf %get3A_861, %sub3A_867 : vector<4x512xf32>
      %sub3A_869 = vector.broadcast %scan3A_24 : vector<4x1xf32> to vector<4x512xf32>
      %sub3A_870 = arith.subf %get3A_864, %sub3A_869 : vector<4x512xf32>
      %mul3A_871 = arith.mulf %sub3A_866, %sub3A_866 : vector<4x512xf32>
      %mul3A_872 = arith.mulf %sub3A_868, %sub3A_868 : vector<4x512xf32>
      %add3A_873 = arith.addf %mul3A_871, %mul3A_872 : vector<4x512xf32>
      %mul3A_874 = arith.mulf %sub3A_870, %sub3A_870 : vector<4x512xf32>
      %add3A_875 = arith.addf %add3A_873, %mul3A_874 : vector<4x512xf32>
      %get3A_876 = arith.constant 0 : index
      %get3A_877 = arith.constant 11776 : index
      %get3A_878 = vector.load %arg4[%get3A_876, %get3A_877] : memref<4x16384xf32, #tpu.memory_space<vmem>>, vector<4x512xf32>
      %min3A_879 = arith.minimumf %get3A_878, %add3A_875 : vector<4x512xf32>
      %swap3A_880 = arith.constant 0 : index
      %swap3A_881 = arith.constant 11776 : index
      %swap3A_882 = vector.load %arg4[%swap3A_880, %swap3A_881] : memref<4x16384xf32, #tpu.memory_space<vmem>>, vector<4x512xf32>
      tpu.vector_store %arg4[%swap3A_880, %swap3A_881], %min3A_879 {strides = array<i32>} : memref<4x16384xf32, #tpu.memory_space<vmem>>, vector<4x512xf32>,
      %gt3A_883 = arith.cmpf ogt, %min3A_879, %select_n3A_848 : vector<4x512xf32>
      %select_n3A_884 = arith.select %gt3A_883, %min3A_879, %select_n3A_848 : vector<4x512xi1>, vector<4x512xf32>
      %add3A_885 = arith.constant 11776 : i32
      %add3A_886 = vector.broadcast %add3A_885 : i32 to vector<4x512xi32>
      %add3A_887 = arith.addi %iota3A, %add3A_886 : vector<4x512xi32>
      %select_n3A_888 = arith.select %gt3A_883, %add3A_887, %select_n3A_852 : vector<4x512xi1>, vector<4x512xi32>
      %select_n3A_889 = arith.select %gt3A_883, %get3A_858, %select_n3A_853 : vector<4x512xi1>, vector<4x512xf32>
      %select_n3A_890 = arith.select %gt3A_883, %get3A_861, %select_n3A_854 : vector<4x512xi1>, vector<4x512xf32>
      %select_n3A_891 = arith.select %gt3A_883, %get3A_864, %select_n3A_855 : vector<4x512xi1>, vector<4x512xf32>
      %get3A_892 = arith.constant 0 : index
      %get3A_893 = arith.constant 12288 : index
      %get3A_894 = vector.load %arg0[%get3A_892, %get3A_893] : memref<4x16384xf32, #tpu.memory_space<vmem>>, vector<4x512xf32>
      %get3A_895 = arith.constant 0 : index
      %get3A_896 = arith.constant 12288 : index
      %get3A_897 = vector.load %arg1[%get3A_895, %get3A_896] : memref<4x16384xf32, #tpu.memory_space<vmem>>, vector<4x512xf32>
      %get3A_898 = arith.constant 0 : index
      %get3A_899 = arith.constant 12288 : index
      %get3A_900 = vector.load %arg2[%get3A_898, %get3A_899] : memref<4x16384xf32, #tpu.memory_space<vmem>>, vector<4x512xf32>
      %sub3A_901 = vector.broadcast %scan3A_22 : vector<4x1xf32> to vector<4x512xf32>
      %sub3A_902 = arith.subf %get3A_894, %sub3A_901 : vector<4x512xf32>
      %sub3A_903 = vector.broadcast %scan3A_23 : vector<4x1xf32> to vector<4x512xf32>
      %sub3A_904 = arith.subf %get3A_897, %sub3A_903 : vector<4x512xf32>
      %sub3A_905 = vector.broadcast %scan3A_24 : vector<4x1xf32> to vector<4x512xf32>
      %sub3A_906 = arith.subf %get3A_900, %sub3A_905 : vector<4x512xf32>
      %mul3A_907 = arith.mulf %sub3A_902, %sub3A_902 : vector<4x512xf32>
      %mul3A_908 = arith.mulf %sub3A_904, %sub3A_904 : vector<4x512xf32>
      %add3A_909 = arith.addf %mul3A_907, %mul3A_908 : vector<4x512xf32>
      %mul3A_910 = arith.mulf %sub3A_906, %sub3A_906 : vector<4x512xf32>
      %add3A_911 = arith.addf %add3A_909, %mul3A_910 : vector<4x512xf32>
      %get3A_912 = arith.constant 0 : index
      %get3A_913 = arith.constant 12288 : index
      %get3A_914 = vector.load %arg4[%get3A_912, %get3A_913] : memref<4x16384xf32, #tpu.memory_space<vmem>>, vector<4x512xf32>
      %min3A_915 = arith.minimumf %get3A_914, %add3A_911 : vector<4x512xf32>
      %swap3A_916 = arith.constant 0 : index
      %swap3A_917 = arith.constant 12288 : index
      %swap3A_918 = vector.load %arg4[%swap3A_916, %swap3A_917] : memref<4x16384xf32, #tpu.memory_space<vmem>>, vector<4x512xf32>
      tpu.vector_store %arg4[%swap3A_916, %swap3A_917], %min3A_915 {strides = array<i32>} : memref<4x16384xf32, #tpu.memory_space<vmem>>, vector<4x512xf32>,
      %gt3A_919 = arith.cmpf ogt, %min3A_915, %select_n3A_884 : vector<4x512xf32>
      %select_n3A_920 = arith.select %gt3A_919, %min3A_915, %select_n3A_884 : vector<4x512xi1>, vector<4x512xf32>
      %add3A_921 = arith.constant 12288 : i32
      %add3A_922 = vector.broadcast %add3A_921 : i32 to vector<4x512xi32>
      %add3A_923 = arith.addi %iota3A, %add3A_922 : vector<4x512xi32>
      %select_n3A_924 = arith.select %gt3A_919, %add3A_923, %select_n3A_888 : vector<4x512xi1>, vector<4x512xi32>
      %select_n3A_925 = arith.select %gt3A_919, %get3A_894, %select_n3A_889 : vector<4x512xi1>, vector<4x512xf32>
      %select_n3A_926 = arith.select %gt3A_919, %get3A_897, %select_n3A_890 : vector<4x512xi1>, vector<4x512xf32>
      %select_n3A_927 = arith.select %gt3A_919, %get3A_900, %select_n3A_891 : vector<4x512xi1>, vector<4x512xf32>
      %get3A_928 = arith.constant 0 : index
      %get3A_929 = arith.constant 12800 : index
      %get3A_930 = vector.load %arg0[%get3A_928, %get3A_929] : memref<4x16384xf32, #tpu.memory_space<vmem>>, vector<4x512xf32>
      %get3A_931 = arith.constant 0 : index
      %get3A_932 = arith.constant 12800 : index
      %get3A_933 = vector.load %arg1[%get3A_931, %get3A_932] : memref<4x16384xf32, #tpu.memory_space<vmem>>, vector<4x512xf32>
      %get3A_934 = arith.constant 0 : index
      %get3A_935 = arith.constant 12800 : index
      %get3A_936 = vector.load %arg2[%get3A_934, %get3A_935] : memref<4x16384xf32, #tpu.memory_space<vmem>>, vector<4x512xf32>
      %sub3A_937 = vector.broadcast %scan3A_22 : vector<4x1xf32> to vector<4x512xf32>
      %sub3A_938 = arith.subf %get3A_930, %sub3A_937 : vector<4x512xf32>
      %sub3A_939 = vector.broadcast %scan3A_23 : vector<4x1xf32> to vector<4x512xf32>
      %sub3A_940 = arith.subf %get3A_933, %sub3A_939 : vector<4x512xf32>
      %sub3A_941 = vector.broadcast %scan3A_24 : vector<4x1xf32> to vector<4x512xf32>
      %sub3A_942 = arith.subf %get3A_936, %sub3A_941 : vector<4x512xf32>
      %mul3A_943 = arith.mulf %sub3A_938, %sub3A_938 : vector<4x512xf32>
      %mul3A_944 = arith.mulf %sub3A_940, %sub3A_940 : vector<4x512xf32>
      %add3A_945 = arith.addf %mul3A_943, %mul3A_944 : vector<4x512xf32>
      %mul3A_946 = arith.mulf %sub3A_942, %sub3A_942 : vector<4x512xf32>
      %add3A_947 = arith.addf %add3A_945, %mul3A_946 : vector<4x512xf32>
      %get3A_948 = arith.constant 0 : index
      %get3A_949 = arith.constant 12800 : index
      %get3A_950 = vector.load %arg4[%get3A_948, %get3A_949] : memref<4x16384xf32, #tpu.memory_space<vmem>>, vector<4x512xf32>
      %min3A_951 = arith.minimumf %get3A_950, %add3A_947 : vector<4x512xf32>
      %swap3A_952 = arith.constant 0 : index
      %swap3A_953 = arith.constant 12800 : index
      %swap3A_954 = vector.load %arg4[%swap3A_952, %swap3A_953] : memref<4x16384xf32, #tpu.memory_space<vmem>>, vector<4x512xf32>
      tpu.vector_store %arg4[%swap3A_952, %swap3A_953], %min3A_951 {strides = array<i32>} : memref<4x16384xf32, #tpu.memory_space<vmem>>, vector<4x512xf32>,
      %gt3A_955 = arith.cmpf ogt, %min3A_951, %select_n3A_920 : vector<4x512xf32>
      %select_n3A_956 = arith.select %gt3A_955, %min3A_951, %select_n3A_920 : vector<4x512xi1>, vector<4x512xf32>
      %add3A_957 = arith.constant 12800 : i32
      %add3A_958 = vector.broadcast %add3A_957 : i32 to vector<4x512xi32>
      %add3A_959 = arith.addi %iota3A, %add3A_958 : vector<4x512xi32>
      %select_n3A_960 = arith.select %gt3A_955, %add3A_959, %select_n3A_924 : vector<4x512xi1>, vector<4x512xi32>
      %select_n3A_961 = arith.select %gt3A_955, %get3A_930, %select_n3A_925 : vector<4x512xi1>, vector<4x512xf32>
      %select_n3A_962 = arith.select %gt3A_955, %get3A_933, %select_n3A_926 : vector<4x512xi1>, vector<4x512xf32>
      %select_n3A_963 = arith.select %gt3A_955, %get3A_936, %select_n3A_927 : vector<4x512xi1>, vector<4x512xf32>
      %get3A_964 = arith.constant 0 : index
      %get3A_965 = arith.constant 13312 : index
      %get3A_966 = vector.load %arg0[%get3A_964, %get3A_965] : memref<4x16384xf32, #tpu.memory_space<vmem>>, vector<4x512xf32>
      %get3A_967 = arith.constant 0 : index
      %get3A_968 = arith.constant 13312 : index
      %get3A_969 = vector.load %arg1[%get3A_967, %get3A_968] : memref<4x16384xf32, #tpu.memory_space<vmem>>, vector<4x512xf32>
      %get3A_970 = arith.constant 0 : index
      %get3A_971 = arith.constant 13312 : index
      %get3A_972 = vector.load %arg2[%get3A_970, %get3A_971] : memref<4x16384xf32, #tpu.memory_space<vmem>>, vector<4x512xf32>
      %sub3A_973 = vector.broadcast %scan3A_22 : vector<4x1xf32> to vector<4x512xf32>
      %sub3A_974 = arith.subf %get3A_966, %sub3A_973 : vector<4x512xf32>
      %sub3A_975 = vector.broadcast %scan3A_23 : vector<4x1xf32> to vector<4x512xf32>
      %sub3A_976 = arith.subf %get3A_969, %sub3A_975 : vector<4x512xf32>
      %sub3A_977 = vector.broadcast %scan3A_24 : vector<4x1xf32> to vector<4x512xf32>
      %sub3A_978 = arith.subf %get3A_972, %sub3A_977 : vector<4x512xf32>
      %mul3A_979 = arith.mulf %sub3A_974, %sub3A_974 : vector<4x512xf32>
      %mul3A_980 = arith.mulf %sub3A_976, %sub3A_976 : vector<4x512xf32>
      %add3A_981 = arith.addf %mul3A_979, %mul3A_980 : vector<4x512xf32>
      %mul3A_982 = arith.mulf %sub3A_978, %sub3A_978 : vector<4x512xf32>
      %add3A_983 = arith.addf %add3A_981, %mul3A_982 : vector<4x512xf32>
      %get3A_984 = arith.constant 0 : index
      %get3A_985 = arith.constant 13312 : index
      %get3A_986 = vector.load %arg4[%get3A_984, %get3A_985] : memref<4x16384xf32, #tpu.memory_space<vmem>>, vector<4x512xf32>
      %min3A_987 = arith.minimumf %get3A_986, %add3A_983 : vector<4x512xf32>
      %swap3A_988 = arith.constant 0 : index
      %swap3A_989 = arith.constant 13312 : index
      %swap3A_990 = vector.load %arg4[%swap3A_988, %swap3A_989] : memref<4x16384xf32, #tpu.memory_space<vmem>>, vector<4x512xf32>
      tpu.vector_store %arg4[%swap3A_988, %swap3A_989], %min3A_987 {strides = array<i32>} : memref<4x16384xf32, #tpu.memory_space<vmem>>, vector<4x512xf32>,
      %gt3A_991 = arith.cmpf ogt, %min3A_987, %select_n3A_956 : vector<4x512xf32>
      %select_n3A_992 = arith.select %gt3A_991, %min3A_987, %select_n3A_956 : vector<4x512xi1>, vector<4x512xf32>
      %add3A_993 = arith.constant 13312 : i32
      %add3A_994 = vector.broadcast %add3A_993 : i32 to vector<4x512xi32>
      %add3A_995 = arith.addi %iota3A, %add3A_994 : vector<4x512xi32>
      %select_n3A_996 = arith.select %gt3A_991, %add3A_995, %select_n3A_960 : vector<4x512xi1>, vector<4x512xi32>
      %select_n3A_997 = arith.select %gt3A_991, %get3A_966, %select_n3A_961 : vector<4x512xi1>, vector<4x512xf32>
      %select_n3A_998 = arith.select %gt3A_991, %get3A_969, %select_n3A_962 : vector<4x512xi1>, vector<4x512xf32>
      %select_n3A_999 = arith.select %gt3A_991, %get3A_972, %select_n3A_963 : vector<4x512xi1>, vector<4x512xf32>
      %get3A_1000 = arith.constant 0 : index
      %get3A_1001 = arith.constant 13824 : index
      %get3A_1002 = vector.load %arg0[%get3A_1000, %get3A_1001] : memref<4x16384xf32, #tpu.memory_space<vmem>>, vector<4x512xf32>
      %get3A_1003 = arith.constant 0 : index
      %get3A_1004 = arith.constant 13824 : index
      %get3A_1005 = vector.load %arg1[%get3A_1003, %get3A_1004] : memref<4x16384xf32, #tpu.memory_space<vmem>>, vector<4x512xf32>
      %get3A_1006 = arith.constant 0 : index
      %get3A_1007 = arith.constant 13824 : index
      %get3A_1008 = vector.load %arg2[%get3A_1006, %get3A_1007] : memref<4x16384xf32, #tpu.memory_space<vmem>>, vector<4x512xf32>
      %sub3A_1009 = vector.broadcast %scan3A_22 : vector<4x1xf32> to vector<4x512xf32>
      %sub3A_1010 = arith.subf %get3A_1002, %sub3A_1009 : vector<4x512xf32>
      %sub3A_1011 = vector.broadcast %scan3A_23 : vector<4x1xf32> to vector<4x512xf32>
      %sub3A_1012 = arith.subf %get3A_1005, %sub3A_1011 : vector<4x512xf32>
      %sub3A_1013 = vector.broadcast %scan3A_24 : vector<4x1xf32> to vector<4x512xf32>
      %sub3A_1014 = arith.subf %get3A_1008, %sub3A_1013 : vector<4x512xf32>
      %mul3A_1015 = arith.mulf %sub3A_1010, %sub3A_1010 : vector<4x512xf32>
      %mul3A_1016 = arith.mulf %sub3A_1012, %sub3A_1012 : vector<4x512xf32>
      %add3A_1017 = arith.addf %mul3A_1015, %mul3A_1016 : vector<4x512xf32>
      %mul3A_1018 = arith.mulf %sub3A_1014, %sub3A_1014 : vector<4x512xf32>
      %add3A_1019 = arith.addf %add3A_1017, %mul3A_1018 : vector<4x512xf32>
      %get3A_1020 = arith.constant 0 : index
      %get3A_1021 = arith.constant 13824 : index
      %get3A_1022 = vector.load %arg4[%get3A_1020, %get3A_1021] : memref<4x16384xf32, #tpu.memory_space<vmem>>, vector<4x512xf32>
      %min3A_1023 = arith.minimumf %get3A_1022, %add3A_1019 : vector<4x512xf32>
      %swap3A_1024 = arith.constant 0 : index
      %swap3A_1025 = arith.constant 13824 : index
      %swap3A_1026 = vector.load %arg4[%swap3A_1024, %swap3A_1025] : memref<4x16384xf32, #tpu.memory_space<vmem>>, vector<4x512xf32>
      tpu.vector_store %arg4[%swap3A_1024, %swap3A_1025], %min3A_1023 {strides = array<i32>} : memref<4x16384xf32, #tpu.memory_space<vmem>>, vector<4x512xf32>,
      %gt3A_1027 = arith.cmpf ogt, %min3A_1023, %select_n3A_992 : vector<4x512xf32>
      %select_n3A_1028 = arith.select %gt3A_1027, %min3A_1023, %select_n3A_992 : vector<4x512xi1>, vector<4x512xf32>
      %add3A_1029 = arith.constant 13824 : i32
      %add3A_1030 = vector.broadcast %add3A_1029 : i32 to vector<4x512xi32>
      %add3A_1031 = arith.addi %iota3A, %add3A_1030 : vector<4x512xi32>
      %select_n3A_1032 = arith.select %gt3A_1027, %add3A_1031, %select_n3A_996 : vector<4x512xi1>, vector<4x512xi32>
      %select_n3A_1033 = arith.select %gt3A_1027, %get3A_1002, %select_n3A_997 : vector<4x512xi1>, vector<4x512xf32>
      %select_n3A_1034 = arith.select %gt3A_1027, %get3A_1005, %select_n3A_998 : vector<4x512xi1>, vector<4x512xf32>
      %select_n3A_1035 = arith.select %gt3A_1027, %get3A_1008, %select_n3A_999 : vector<4x512xi1>, vector<4x512xf32>
      %get3A_1036 = arith.constant 0 : index
      %get3A_1037 = arith.constant 14336 : index
      %get3A_1038 = vector.load %arg0[%get3A_1036, %get3A_1037] : memref<4x16384xf32, #tpu.memory_space<vmem>>, vector<4x512xf32>
      %get3A_1039 = arith.constant 0 : index
      %get3A_1040 = arith.constant 14336 : index
      %get3A_1041 = vector.load %arg1[%get3A_1039, %get3A_1040] : memref<4x16384xf32, #tpu.memory_space<vmem>>, vector<4x512xf32>
      %get3A_1042 = arith.constant 0 : index
      %get3A_1043 = arith.constant 14336 : index
      %get3A_1044 = vector.load %arg2[%get3A_1042, %get3A_1043] : memref<4x16384xf32, #tpu.memory_space<vmem>>, vector<4x512xf32>
      %sub3A_1045 = vector.broadcast %scan3A_22 : vector<4x1xf32> to vector<4x512xf32>
      %sub3A_1046 = arith.subf %get3A_1038, %sub3A_1045 : vector<4x512xf32>
      %sub3A_1047 = vector.broadcast %scan3A_23 : vector<4x1xf32> to vector<4x512xf32>
      %sub3A_1048 = arith.subf %get3A_1041, %sub3A_1047 : vector<4x512xf32>
      %sub3A_1049 = vector.broadcast %scan3A_24 : vector<4x1xf32> to vector<4x512xf32>
      %sub3A_1050 = arith.subf %get3A_1044, %sub3A_1049 : vector<4x512xf32>
      %mul3A_1051 = arith.mulf %sub3A_1046, %sub3A_1046 : vector<4x512xf32>
      %mul3A_1052 = arith.mulf %sub3A_1048, %sub3A_1048 : vector<4x512xf32>
      %add3A_1053 = arith.addf %mul3A_1051, %mul3A_1052 : vector<4x512xf32>
      %mul3A_1054 = arith.mulf %sub3A_1050, %sub3A_1050 : vector<4x512xf32>
      %add3A_1055 = arith.addf %add3A_1053, %mul3A_1054 : vector<4x512xf32>
      %get3A_1056 = arith.constant 0 : index
      %get3A_1057 = arith.constant 14336 : index
      %get3A_1058 = vector.load %arg4[%get3A_1056, %get3A_1057] : memref<4x16384xf32, #tpu.memory_space<vmem>>, vector<4x512xf32>
      %min3A_1059 = arith.minimumf %get3A_1058, %add3A_1055 : vector<4x512xf32>
      %swap3A_1060 = arith.constant 0 : index
      %swap3A_1061 = arith.constant 14336 : index
      %swap3A_1062 = vector.load %arg4[%swap3A_1060, %swap3A_1061] : memref<4x16384xf32, #tpu.memory_space<vmem>>, vector<4x512xf32>
      tpu.vector_store %arg4[%swap3A_1060, %swap3A_1061], %min3A_1059 {strides = array<i32>} : memref<4x16384xf32, #tpu.memory_space<vmem>>, vector<4x512xf32>,
      %gt3A_1063 = arith.cmpf ogt, %min3A_1059, %select_n3A_1028 : vector<4x512xf32>
      %select_n3A_1064 = arith.select %gt3A_1063, %min3A_1059, %select_n3A_1028 : vector<4x512xi1>, vector<4x512xf32>
      %add3A_1065 = arith.constant 14336 : i32
      %add3A_1066 = vector.broadcast %add3A_1065 : i32 to vector<4x512xi32>
      %add3A_1067 = arith.addi %iota3A, %add3A_1066 : vector<4x512xi32>
      %select_n3A_1068 = arith.select %gt3A_1063, %add3A_1067, %select_n3A_1032 : vector<4x512xi1>, vector<4x512xi32>
      %select_n3A_1069 = arith.select %gt3A_1063, %get3A_1038, %select_n3A_1033 : vector<4x512xi1>, vector<4x512xf32>
      %select_n3A_1070 = arith.select %gt3A_1063, %get3A_1041, %select_n3A_1034 : vector<4x512xi1>, vector<4x512xf32>
      %select_n3A_1071 = arith.select %gt3A_1063, %get3A_1044, %select_n3A_1035 : vector<4x512xi1>, vector<4x512xf32>
      %get3A_1072 = arith.constant 0 : index
      %get3A_1073 = arith.constant 14848 : index
      %get3A_1074 = vector.load %arg0[%get3A_1072, %get3A_1073] : memref<4x16384xf32, #tpu.memory_space<vmem>>, vector<4x512xf32>
      %get3A_1075 = arith.constant 0 : index
      %get3A_1076 = arith.constant 14848 : index
      %get3A_1077 = vector.load %arg1[%get3A_1075, %get3A_1076] : memref<4x16384xf32, #tpu.memory_space<vmem>>, vector<4x512xf32>
      %get3A_1078 = arith.constant 0 : index
      %get3A_1079 = arith.constant 14848 : index
      %get3A_1080 = vector.load %arg2[%get3A_1078, %get3A_1079] : memref<4x16384xf32, #tpu.memory_space<vmem>>, vector<4x512xf32>
      %sub3A_1081 = vector.broadcast %scan3A_22 : vector<4x1xf32> to vector<4x512xf32>
      %sub3A_1082 = arith.subf %get3A_1074, %sub3A_1081 : vector<4x512xf32>
      %sub3A_1083 = vector.broadcast %scan3A_23 : vector<4x1xf32> to vector<4x512xf32>
      %sub3A_1084 = arith.subf %get3A_1077, %sub3A_1083 : vector<4x512xf32>
      %sub3A_1085 = vector.broadcast %scan3A_24 : vector<4x1xf32> to vector<4x512xf32>
      %sub3A_1086 = arith.subf %get3A_1080, %sub3A_1085 : vector<4x512xf32>
      %mul3A_1087 = arith.mulf %sub3A_1082, %sub3A_1082 : vector<4x512xf32>
      %mul3A_1088 = arith.mulf %sub3A_1084, %sub3A_1084 : vector<4x512xf32>
      %add3A_1089 = arith.addf %mul3A_1087, %mul3A_1088 : vector<4x512xf32>
      %mul3A_1090 = arith.mulf %sub3A_1086, %sub3A_1086 : vector<4x512xf32>
      %add3A_1091 = arith.addf %add3A_1089, %mul3A_1090 : vector<4x512xf32>
      %get3A_1092 = arith.constant 0 : index
      %get3A_1093 = arith.constant 14848 : index
      %get3A_1094 = vector.load %arg4[%get3A_1092, %get3A_1093] : memref<4x16384xf32, #tpu.memory_space<vmem>>, vector<4x512xf32>
      %min3A_1095 = arith.minimumf %get3A_1094, %add3A_1091 : vector<4x512xf32>
      %swap3A_1096 = arith.constant 0 : index
      %swap3A_1097 = arith.constant 14848 : index
      %swap3A_1098 = vector.load %arg4[%swap3A_1096, %swap3A_1097] : memref<4x16384xf32, #tpu.memory_space<vmem>>, vector<4x512xf32>
      tpu.vector_store %arg4[%swap3A_1096, %swap3A_1097], %min3A_1095 {strides = array<i32>} : memref<4x16384xf32, #tpu.memory_space<vmem>>, vector<4x512xf32>,
      %gt3A_1099 = arith.cmpf ogt, %min3A_1095, %select_n3A_1064 : vector<4x512xf32>
      %select_n3A_1100 = arith.select %gt3A_1099, %min3A_1095, %select_n3A_1064 : vector<4x512xi1>, vector<4x512xf32>
      %add3A_1101 = arith.constant 14848 : i32
      %add3A_1102 = vector.broadcast %add3A_1101 : i32 to vector<4x512xi32>
      %add3A_1103 = arith.addi %iota3A, %add3A_1102 : vector<4x512xi32>
      %select_n3A_1104 = arith.select %gt3A_1099, %add3A_1103, %select_n3A_1068 : vector<4x512xi1>, vector<4x512xi32>
      %select_n3A_1105 = arith.select %gt3A_1099, %get3A_1074, %select_n3A_1069 : vector<4x512xi1>, vector<4x512xf32>
      %select_n3A_1106 = arith.select %gt3A_1099, %get3A_1077, %select_n3A_1070 : vector<4x512xi1>, vector<4x512xf32>
      %select_n3A_1107 = arith.select %gt3A_1099, %get3A_1080, %select_n3A_1071 : vector<4x512xi1>, vector<4x512xf32>
      %get3A_1108 = arith.constant 0 : index
      %get3A_1109 = arith.constant 15360 : index
      %get3A_1110 = vector.load %arg0[%get3A_1108, %get3A_1109] : memref<4x16384xf32, #tpu.memory_space<vmem>>, vector<4x512xf32>
      %get3A_1111 = arith.constant 0 : index
      %get3A_1112 = arith.constant 15360 : index
      %get3A_1113 = vector.load %arg1[%get3A_1111, %get3A_1112] : memref<4x16384xf32, #tpu.memory_space<vmem>>, vector<4x512xf32>
      %get3A_1114 = arith.constant 0 : index
      %get3A_1115 = arith.constant 15360 : index
      %get3A_1116 = vector.load %arg2[%get3A_1114, %get3A_1115] : memref<4x16384xf32, #tpu.memory_space<vmem>>, vector<4x512xf32>
      %sub3A_1117 = vector.broadcast %scan3A_22 : vector<4x1xf32> to vector<4x512xf32>
      %sub3A_1118 = arith.subf %get3A_1110, %sub3A_1117 : vector<4x512xf32>
      %sub3A_1119 = vector.broadcast %scan3A_23 : vector<4x1xf32> to vector<4x512xf32>
      %sub3A_1120 = arith.subf %get3A_1113, %sub3A_1119 : vector<4x512xf32>
      %sub3A_1121 = vector.broadcast %scan3A_24 : vector<4x1xf32> to vector<4x512xf32>
      %sub3A_1122 = arith.subf %get3A_1116, %sub3A_1121 : vector<4x512xf32>
      %mul3A_1123 = arith.mulf %sub3A_1118, %sub3A_1118 : vector<4x512xf32>
      %mul3A_1124 = arith.mulf %sub3A_1120, %sub3A_1120 : vector<4x512xf32>
      %add3A_1125 = arith.addf %mul3A_1123, %mul3A_1124 : vector<4x512xf32>
      %mul3A_1126 = arith.mulf %sub3A_1122, %sub3A_1122 : vector<4x512xf32>
      %add3A_1127 = arith.addf %add3A_1125, %mul3A_1126 : vector<4x512xf32>
      %get3A_1128 = arith.constant 0 : index
      %get3A_1129 = arith.constant 15360 : index
      %get3A_1130 = vector.load %arg4[%get3A_1128, %get3A_1129] : memref<4x16384xf32, #tpu.memory_space<vmem>>, vector<4x512xf32>
      %min3A_1131 = arith.minimumf %get3A_1130, %add3A_1127 : vector<4x512xf32>
      %swap3A_1132 = arith.constant 0 : index
      %swap3A_1133 = arith.constant 15360 : index
      %swap3A_1134 = vector.load %arg4[%swap3A_1132, %swap3A_1133] : memref<4x16384xf32, #tpu.memory_space<vmem>>, vector<4x512xf32>
      tpu.vector_store %arg4[%swap3A_1132, %swap3A_1133], %min3A_1131 {strides = array<i32>} : memref<4x16384xf32, #tpu.memory_space<vmem>>, vector<4x512xf32>,
      %gt3A_1135 = arith.cmpf ogt, %min3A_1131, %select_n3A_1100 : vector<4x512xf32>
      %select_n3A_1136 = arith.select %gt3A_1135, %min3A_1131, %select_n3A_1100 : vector<4x512xi1>, vector<4x512xf32>
      %add3A_1137 = arith.constant 15360 : i32
      %add3A_1138 = vector.broadcast %add3A_1137 : i32 to vector<4x512xi32>
      %add3A_1139 = arith.addi %iota3A, %add3A_1138 : vector<4x512xi32>
      %select_n3A_1140 = arith.select %gt3A_1135, %add3A_1139, %select_n3A_1104 : vector<4x512xi1>, vector<4x512xi32>
      %select_n3A_1141 = arith.select %gt3A_1135, %get3A_1110, %select_n3A_1105 : vector<4x512xi1>, vector<4x512xf32>
      %select_n3A_1142 = arith.select %gt3A_1135, %get3A_1113, %select_n3A_1106 : vector<4x512xi1>, vector<4x512xf32>
      %select_n3A_1143 = arith.select %gt3A_1135, %get3A_1116, %select_n3A_1107 : vector<4x512xi1>, vector<4x512xf32>
      %get3A_1144 = arith.constant 0 : index
      %get3A_1145 = arith.constant 15872 : index
      %get3A_1146 = vector.load %arg0[%get3A_1144, %get3A_1145] : memref<4x16384xf32, #tpu.memory_space<vmem>>, vector<4x512xf32>
      %get3A_1147 = arith.constant 0 : index
      %get3A_1148 = arith.constant 15872 : index
      %get3A_1149 = vector.load %arg1[%get3A_1147, %get3A_1148] : memref<4x16384xf32, #tpu.memory_space<vmem>>, vector<4x512xf32>
      %get3A_1150 = arith.constant 0 : index
      %get3A_1151 = arith.constant 15872 : index
      %get3A_1152 = vector.load %arg2[%get3A_1150, %get3A_1151] : memref<4x16384xf32, #tpu.memory_space<vmem>>, vector<4x512xf32>
      %sub3A_1153 = vector.broadcast %scan3A_22 : vector<4x1xf32> to vector<4x512xf32>
      %sub3A_1154 = arith.subf %get3A_1146, %sub3A_1153 : vector<4x512xf32>
      %sub3A_1155 = vector.broadcast %scan3A_23 : vector<4x1xf32> to vector<4x512xf32>
      %sub3A_1156 = arith.subf %get3A_1149, %sub3A_1155 : vector<4x512xf32>
      %sub3A_1157 = vector.broadcast %scan3A_24 : vector<4x1xf32> to vector<4x512xf32>
      %sub3A_1158 = arith.subf %get3A_1152, %sub3A_1157 : vector<4x512xf32>
      %mul3A_1159 = arith.mulf %sub3A_1154, %sub3A_1154 : vector<4x512xf32>
      %mul3A_1160 = arith.mulf %sub3A_1156, %sub3A_1156 : vector<4x512xf32>
      %add3A_1161 = arith.addf %mul3A_1159, %mul3A_1160 : vector<4x512xf32>
      %mul3A_1162 = arith.mulf %sub3A_1158, %sub3A_1158 : vector<4x512xf32>
      %add3A_1163 = arith.addf %add3A_1161, %mul3A_1162 : vector<4x512xf32>
      %get3A_1164 = arith.constant 0 : index
      %get3A_1165 = arith.constant 15872 : index
      %get3A_1166 = vector.load %arg4[%get3A_1164, %get3A_1165] : memref<4x16384xf32, #tpu.memory_space<vmem>>, vector<4x512xf32>
      %min3A_1167 = arith.minimumf %get3A_1166, %add3A_1163 : vector<4x512xf32>
      %swap3A_1168 = arith.constant 0 : index
      %swap3A_1169 = arith.constant 15872 : index
      %swap3A_1170 = vector.load %arg4[%swap3A_1168, %swap3A_1169] : memref<4x16384xf32, #tpu.memory_space<vmem>>, vector<4x512xf32>
      tpu.vector_store %arg4[%swap3A_1168, %swap3A_1169], %min3A_1167 {strides = array<i32>} : memref<4x16384xf32, #tpu.memory_space<vmem>>, vector<4x512xf32>,
      %gt3A_1171 = arith.cmpf ogt, %min3A_1167, %select_n3A_1136 : vector<4x512xf32>
      %select_n3A_1172 = arith.select %gt3A_1171, %min3A_1167, %select_n3A_1136 : vector<4x512xi1>, vector<4x512xf32>
      %add3A_1173 = arith.constant 15872 : i32
      %add3A_1174 = vector.broadcast %add3A_1173 : i32 to vector<4x512xi32>
      %add3A_1175 = arith.addi %iota3A, %add3A_1174 : vector<4x512xi32>
      %select_n3A_1176 = arith.select %gt3A_1171, %add3A_1175, %select_n3A_1140 : vector<4x512xi1>, vector<4x512xi32>
      %select_n3A_1177 = arith.select %gt3A_1171, %get3A_1146, %select_n3A_1141 : vector<4x512xi1>, vector<4x512xf32>
      %select_n3A_1178 = arith.select %gt3A_1171, %get3A_1149, %select_n3A_1142 : vector<4x512xi1>, vector<4x512xf32>
      %select_n3A_1179 = arith.select %gt3A_1171, %get3A_1152, %select_n3A_1143 : vector<4x512xi1>, vector<4x512xf32>
      %reduce_max3A = arith.constant dense<0xFF800000> : vector<4xf32>
      %reduce_max3A_1180 = vector.multi_reduction <maximumf>, %select_n3A_1172, %reduce_max3A [1] : vector<4x512xf32> to vector<4xf32>
      %broadcast_in_dim3A_1181 = vector.shape_cast %reduce_max3A_1180 : vector<4xf32> to vector<4x1xf32>
      %eq3A = vector.broadcast %broadcast_in_dim3A_1181 : vector<4x1xf32> to vector<4x512xf32>
      %eq3A_1182 = arith.cmpf oeq, %select_n3A_1172, %eq3A : vector<4x512xf32>
      %jit3A = arith.constant 2147483647 : i32
      %broadcast_in_dim3A_1183 = vector.broadcast %jit3A : i32 to vector<4x512xi32>
      %select_n3A_1184 = arith.select %eq3A_1182, %select_n3A_1176, %broadcast_in_dim3A_1183 : vector<4x512xi1>, vector<4x512xi32>
      %reduce_min3A = arith.constant dense<2147483647> : vector<4xi32>
      %reduce_min3A_1185 = vector.multi_reduction <minsi>, %select_n3A_1184, %reduce_min3A [1] : vector<4x512xi32> to vector<4xi32>
      %broadcast_in_dim3A_1186 = vector.shape_cast %reduce_min3A_1185 : vector<4xi32> to vector<4x1xi32>
      %eq3A_1187 = vector.broadcast %broadcast_in_dim3A_1186 : vector<4x1xi32> to vector<4x512xi32>
      %eq3A_1188 = arith.cmpi eq, %select_n3A_1176, %eq3A_1187 : vector<4x512xi32>
      %jit3A_1189 = arith.constant 0.000000e+00 : f32
      %broadcast_in_dim3A_1190 = vector.broadcast %jit3A_1189 : f32 to vector<4x512xf32>
      %select_n3A_1191 = arith.select %eq3A_1188, %select_n3A_1177, %broadcast_in_dim3A_1190 : vector<4x512xi1>, vector<4x512xf32>
      %reduce_sum3A = arith.constant dense<0.000000e+00> : vector<4xf32>
      %reduce_sum3A_1192 = vector.multi_reduction <add>, %select_n3A_1191, %reduce_sum3A [1] : vector<4x512xf32> to vector<4xf32>
      %broadcast_in_dim3A_1193 = vector.shape_cast %reduce_sum3A_1192 : vector<4xf32> to vector<4x1xf32>
      %jit3A_1194 = arith.constant 0.000000e+00 : f32
      %broadcast_in_dim3A_1195 = vector.broadcast %jit3A_1194 : f32 to vector<4x512xf32>
      %select_n3A_1196 = arith.select %eq3A_1188, %select_n3A_1178, %broadcast_in_dim3A_1195 : vector<4x512xi1>, vector<4x512xf32>
      %reduce_sum3A_1197 = arith.constant dense<0.000000e+00> : vector<4xf32>
      %reduce_sum3A_1198 = vector.multi_reduction <add>, %select_n3A_1196, %reduce_sum3A_1197 [1] : vector<4x512xf32> to vector<4xf32>
      %broadcast_in_dim3A_1199 = vector.shape_cast %reduce_sum3A_1198 : vector<4xf32> to vector<4x1xf32>
      %jit3A_1200 = arith.constant 0.000000e+00 : f32
      %broadcast_in_dim3A_1201 = vector.broadcast %jit3A_1200 : f32 to vector<4x512xf32>
      %select_n3A_1202 = arith.select %eq3A_1188, %select_n3A_1179, %broadcast_in_dim3A_1201 : vector<4x512xi1>, vector<4x512xf32>
      %reduce_sum3A_1203 = arith.constant dense<0.000000e+00> : vector<4xf32>
      %reduce_sum3A_1204 = vector.multi_reduction <add>, %select_n3A_1202, %reduce_sum3A_1203 [1] : vector<4x512xf32> to vector<4xf32>
      %broadcast_in_dim3A_1205 = vector.shape_cast %reduce_sum3A_1204 : vector<4xf32> to vector<4x1xf32>
      scf.yield %broadcast_in_dim3A_1186, %broadcast_in_dim3A_1193, %broadcast_in_dim3A_1199, %broadcast_in_dim3A_1205 : vector<4x1xi32>, vector<4x1xf32>, vector<4x1xf32>, vector<4x1xf32>
    }
    %scan3A_19 = arith.constant 2048 : i32
    return
  }
}

</mosaic_0001>

<sc_bundles>
// kernel: kernel.4.cloned.1.call-start
scs
__scs_entry_jumppad:
0x0: {  	(pc) =	sbr.rel $0x88, $3  }
0x1: {  	(tag) =	ssettag $0x0;
	lr =	simm.s32 $0x1  }
0x2: {  	[smem:$0x3FA0] =	sst lr;
	_ =	strace $0xD0000000  }
0x3: {  	_ = 	snop  }
0x4: {  	_ = 	snop  }
0x5: {  	_ = 	snop  }
0x6: {  	_ = 	snop  }
0x7: {  	_ = 	snop  }
__scs_overlays_trampoline_lowered:
0x8: {  	[smem:$0x3FAF] =	sst s0  }
0x9: {  	[smem:$0x3FB0] =	sst s1  }
0xa: {  	[smem:$0x3FB1] =	sst s2  }
0xb: {  	[smem:$0x3FB2] =	sst s3  }
0xc: {  	[smem:$0x3FB3] =	sst s4  }
0xd: {  	[smem:$0x3FB4] =	sst s5  }
0xe: {  	[smem:$0x3FB5] =	sst s6  }
0xf: {  	[smem:$0x3FB6] =	sst s7  }
0x10: {  	[smem:$0x3FB7] =	sst s8  }
0x11: {  	[smem:$0x3FB8] =	sst s9;
	s0 =	simm.s32 @!p0 $0x0  }
0x12: {  	s1 =	sld [smem:$0x3F9E];
	s0 =	simm.s32 @p0 $0x1  }
0x13: {  	[smem:$0x3FB9] =	sst s0;
	s0 =	simm.s32 @!p1 $0x0  }
0x14: {  	s2 =	sld [smem:$0x3F9D];
	s0 =	simm.s32 @p1 $0x1  }
0x15: {  	[smem:$0x3FBA] =	sst s0;
	s0 =	simm.s32 @!p2 $0x0  }
0x16: {  	s3 =	sld [smem:$0x3FDB];
	s0 =	simm.s32 @p2 $0x1  }
0x17: {  	s4 =	simm.s32 $0x1BF5;
	[smem:$0x3FBC] =	sst s0  }
0x18: {  	s0 =	sld [smem:$0x3F9F];
	_ =	swait.ge [sflag:s4], $0x0  }
0x19: {  	s7 =	sld [smem:$0x3FA0]  }
0x1a: {  	s8 =	sadd.s32 $0xFFFFE003, lr  }
0x1b: {  	s9 =	sadd.s32 $0xFFFFFEF7, lr;
	s5 =	simm.s32 $0xFFFFFFFF;
	p2 =	slt.u32 s8, $0xFFFFF086  }
0x1c: {  	p1 =	slt.u32 s9, $0xF7A;
	s5 =	simm.s32 @!p2 $0x0  }
0x1d: {  	s5 =	simm.s32 @p1 $0x1;
	p0 =	seq.s32 s7, s2  }
0x1e: {  	s7 =	smul.u32 @!p0 $0xF7A, s2;
	p2 =	seq.s32 @!p0 s5, $0x0  }
0x1f: {  	s9 =	smul.u32 $0xF7A, s1;
	s8 =	simm.s32 @!p0 $0x1BF5;
	p2 =	por !p2, p0  }
0x20: {  	[sflag:s8] =	ssyncset.s32 @!p0 $0xFFFFF086;
	s6 =	sadd.s32 @!p0 s3, s7;
	s7 =	simm.s32 @!p0 $0x108  }
0x21: {  	s3 =	sadd.s32 s3, s9;
	s6 =	sadd.s32 @!p0 $0x88, s6;
	s7 =	simm.s32 @p2 $0x1082  }
0x22: {  	[simem:s7], [sflag:s8] =	dma.local @!p0 [hbm:s6], $0xF7A  }
0x23: {  	s9 =	sor.u32 $0xD0000000, s2;
	s6 =	simm.s32 $0x108;
	_ =	swait.ge @!p0 [sflag:s8], $0x0  }
0x24: {  	s3 =	sadd.s32 $0x88, s3;
	s6 =	simm.s32 @!p1 $0x1082;
	[sflag:s4] =	ssyncset.s32 $0xFFFFF086  }
0x25: {  	[simem:s6], [sflag:s4] =	dma.local [hbm:s3], $0xF7A  }
0x26: {  	[smem:$0x3FA0] =	sst s1;
	(tag) =	ssettag s2;
	_ =	strace s9  }
0x27: {  	s1 =	sld [smem:$0x3FB0]  }
0x28: {  	s2 =	sld [smem:$0x3FB1]  }
0x29: {  	s4 =	sld [smem:$0x3FB3]  }
0x2a: {  	p0 =	seq.s32 s5, $0x0;
	s5 =	sld [smem:$0x3FB4]  }
0x2b: {  	s6 =	sld [smem:$0x3FB5]  }
0x2c: {  	s7 =	sld [smem:$0x3FB6]  }
0x2d: {  	s3 =	simm.s32 $0x108;
	s8 =	sld [smem:$0x3FB7]  }
0x2e: {  	s3 =	simm.s32 @!p0 $0x1082;
	s9 =	sld [smem:$0x3FB8]  }
0x2f: {  	lr =	sadd.s32 s0, s3;
	s0 =	sld [smem:$0x3FAF]  }
0x30: {  	s3 =	sld [smem:$0x3FB2]  }
0x31: {  	[smem:$0x3FBB] =	sst s10  }
0x32: {  	s10 =	sld [smem:$0x3FB9];
	_ =	sdelay $0x3  }
0x33: {  	p0 =	seq.s32 s10, $0x1;
	s10 =	sld [smem:$0x3FBB];
	_ =	sdelay $0x3  }
0x34: {  	[smem:$0x3FBB] =	sst s10  }
0x35: {  	s10 =	sld [smem:$0x3FBA];
	_ =	sdelay $0x3  }
0x36: {  	p1 =	seq.s32 s10, $0x1;
	s10 =	sld [smem:$0x3FBB];
	_ =	sdelay $0x3  }
0x37: {  	[smem:$0x3FBB] =	sst s10  }
0x38: {  	s10 =	sld [smem:$0x3FBC]  }
0x39: {  	_ = 	snop;
	(pc) =	sbr.ind lr, $3  }
0x3a: {  	_ = 	snop  }
0x3b: {  	_ = 	snop  }
0x3c: {  	p2 =	seq.s32 s10, $0x1;
	s10 =	sld [smem:$0x3FBB]  }
0x3d: {  	_ =	shalt  }
0x3e: {  	_ =	shalt  }
0x3f: {  	_ =	shalt  }
0x40: {  	_ =	shalt  }
0x41: {  	_ =	shalt  }
0x42: {  	_ =	shalt  }
0x43: {  	_ =	shalt  }
0x44: {  	_ =	shalt  }
0x45: {  	_ =	shalt  }
0x46: {  	_ =	shalt  }
0x47: {  	_ =	shalt  }
0x48: {  	_ =	shalt  }
0x49: {  	_ =	shalt  }
0x4a: {  	_ =	shalt  }
0x4b: {  	_ =	shalt  }
0x4c: {  	_ =	shalt  }
0x4d: {  	_ =	shalt  }
0x4e: {  	_ =	shalt  }
0x4f: {  	_ =	shalt  }
0x50: {  	_ =	shalt  }
0x51: {  	_ =	shalt  }
0x52: {  	_ =	shalt  }
0x53: {  	_ =	shalt  }
0x54: {  	_ =	shalt  }
0x55: {  	_ =	shalt  }
0x56: {  	_ =	shalt  }
0x57: {  	_ =	shalt  }
0x58: {  	_ =	shalt  }
0x59: {  	_ =	shalt  }
0x5a: {  	_ =	shalt  }
0x5b: {  	_ =	shalt  }
0x5c: {  	_ =	shalt  }
0x5d: {  	_ =	shalt  }
0x5e: {  	_ =	shalt  }
0x5f: {  	_ =	shalt  }
0x60: {  	_ =	shalt  }
0x61: {  	_ =	shalt  }
0x62: {  	_ =	shalt  }
0x63: {  	_ =	shalt  }
0x64: {  	_ =	shalt  }
0x65: {  	_ =	shalt  }
0x66: {  	_ =	shalt  }
0x67: {  	_ =	shalt  }
0x68: {  	_ =	shalt  }
0x69: {  	_ =	shalt  }
0x6a: {  	_ =	shalt  }
0x6b: {  	_ =	shalt  }
0x6c: {  	_ =	shalt  }
0x6d: {  	_ =	shalt  }
0x6e: {  	_ =	shalt  }
0x6f: {  	_ =	shalt  }
0x70: {  	_ =	shalt  }
0x71: {  	_ =	shalt  }
0x72: {  	_ =	shalt  }
0x73: {  	_ =	shalt  }
0x74: {  	_ =	shalt  }
0x75: {  	_ =	shalt  }
0x76: {  	_ =	shalt  }
0x77: {  	_ =	shalt  }
0x78: {  	_ =	shalt  }
0x79: {  	_ =	shalt  }
0x7a: {  	_ =	shalt  }
0x7b: {  	_ =	shalt  }
0x7c: {  	_ =	shalt  }
0x7d: {  	_ =	shalt  }
0x7e: {  	_ =	shalt  }
0x7f: {  	_ =	shalt  }
0x80: {  	_ =	shalt  }
0x81: {  	_ =	shalt  }
0x82: {  	_ =	shalt  }
0x83: {  	_ =	shalt  }
0x84: {  	_ =	shalt  }
0x85: {  	_ =	shalt  }
0x86: {  	_ =	shalt  }
0x87: {  	_ =	shalt  }
.Lfunc_end0:
.L_simem_size_0:
called_computation_lowered:
.L_overlay_start_0:
0x88: {  	s2 =	sld [smem:$0x3FD9]  }
0x89: {  	s3 =	sld [smem:$0x3FFE];
	_ =	sdelay $0x1  }
0x8a: {  	s1 =	srdreg.scid  }
0x8b: {  	s0 =	sand.u32 $0x1, s1  }
0x8c: {  	s17 =	sshll.u32 s0, $0xA;
	s2 =	sadd.s32 s3, s2  }
0x8d: {  	s2 =	sadd.s32 s2, s17  }
0x8e: {  	[smem:$0x3FC7] =	sst s2  }
0x8f: {  	_ = 	snop  }
0x90: {  	s2 =	sld [smem:$0x3FD0];
	(tm) =	ssettm $0x1  }
0x91: {  	s18 =	sld [smem:$0x3FFB];
	_ =	sdelay $0x3  }
0x92: {  	_ =	strace s18  }
0x93: {  	s3 =	sld [smem:$0x3FFC];
	_ =	sdelay $0x3  }
0x94: {  	_ =	strace s3  }
0x95: {  	s3 =	sld [smem:$0x3FFD];
	_ =	sdelay $0x3  }
0x96: {  	_ =	strace s3  }
0x97: {  	_ =	strace $0x8FFFFFFF  }
0x98: {  	s19 =	sld [smem:$0x3FDB];
	_ =	sdelay $0x1  }
0x99: {  	s4 =	simm.s32 $_scs_section_size  }
0x9a: {  	s5 =	simm.s32 $_size__tile_overlayer_lowered;
	s6 =	simm.s32 $_tile_overlayer_lowered  }
0x9b: {  	s22 =	simm.s32 $0x1BFF;
	s21 =	sshll.u32 s6, $0x1;
	s3 =	sadd.s32 s4, s19  }
0x9c: {  	s7 =	simm.s32 $0x0;
	s20 =	sshll.u32 s5, $0x1;
	s5 =	sadd.s32 s21, s3  }
0x9d: {  	[timem:s7], [sflag:s22] =	dma.local [hbm:s5], s20  }
0x9e: {  	_ =	swait.ge [sflag:s22], s20  }
0x9f: {  	s4 =	ssub.s32 $0x0, s20;
	[sflag:s22] =	ssyncset.done $0x0  }
0xa0: {  	[sflag:s22] =	ssyncadd.s32 s4;
	_ =	sdelay $0x1  }
0xa1: {  	s23 =	simm.s32 $0x1B8B  }
0xa2: {  	_ =	swait.ge [sflag:s23], $0x1  }
0xa3: {  	[sflag:s23] =	ssyncset.done $0x0  }
0xa4: {  	s25 =	simm.s32 $0x1B8E;
	s24 =	sld [smem:$0x3FFE];
	[sflag:s23] =	ssyncadd.s32 $0xFFFFFFFF  }
0xa5: {  	s26 =	simm.s32 $execute0_lowered;
	[smem:$0x3FD2] =	sst s25  }
0xa6: {  	s5 =	sshll.u32 s26, $0x1;
	_ =	strace $0x80000046;
	[dreg:$0x1] =	wrdreg $0xFFFFFFFF  }
0xa7: {  	s28 =	simm.s32 $_size_execute0_lowered;
	s3 =	sadd.s32 s3, s5;
	[dreg:$0x0] =	wrdreg $0x0  }
0xa8: {  	s5 =	sshll.u32 s28, $0x1;
	[dreg:$0x2] =	wrdreg s3  }
0xa9: {  	[dreg:$0x3] =	wrdreg s5  }
0xaa: {  	[dreg:$0x4] =	wrdreg $0xC0  }
0xab: {  	_ =	task [dreg:s7], $0x5FFFF  }
0xac: {  	[dreg:$0x1] =	wrdreg $0xFFFFFFFF  }
0xad: {  	[dreg:$0x0] =	wrdreg $0x60  }
0xae: {  	[dreg:$0x2] =	wrdreg s24  }
0xaf: {  	[dreg:$0x3] =	wrdreg s2  }
0xb0: {  	[dreg:$0x4] =	wrdreg $0x29000  }
0xb1: {  	[dreg:$0x5] =	wrdreg $0x9  }
0xb2: {  	_ =	task.clear_ibuf [dreg:s7], $0x6FFFF;
	_ =	strace $0x90000046  }
0xb3: {  	s29 =	simm.s32 $0x9;
	_ =	strace $0x80000048  }
0xb4: {  	_ =	swait.ge [sflag:s29], $0x1  }
0xb5: {  	[sflag:s29] =	ssyncadd.s32 $0xFFFFFFFF  }
0xb6: {  	_ =	strace $0x90000048  }
0xb7: {  	_ =	sfence  }
0xb8: {  	s30 =	sld [smem:$0x0];
	_ =	sdelay $0x2  }
0xb9: {  	s31 =	sshll.u32 s1, $0xD;
	s1 =	sshrl.u32 s1, $0x2  }
0xba: {  	s3 =	sand.u32 $0x4000, s31;
	s1 =	sadd.s32 s1, s30  }
0xbb: {  	s0 =	sor.u32 s3, s0;
	s1 =	sshll.u32 s1, $0x11  }
0xbc: {  	s0 =	sor.u32 s1, s0  }
0xbd: {  	s0 =	sadd.s32 $0x8F2B, s0  }
0xbe: {  	[sflag:s0] =	ssyncadd.remote.s32 $0x1  }
0xbf: {  	_ =	sfence.sel $0xFFFF  }
0xc0: {  	[dreg:$0x0] =	wrdreg $0xFFFFFFFF;
	(pc) =	sbr.abs _section_cstart, $3  }
0xc1: {  	[dreg:$0x1] =	wrdreg $0xFFFFFFFF  }
0xc2: {  	_ =	task.clear_ibuf [dreg:s7], $0x2FFFF;
	_ =	strace $0x9FFFFFFF  }
0xc3: {  	(tm) =	ssettm $0x7FFFFFFF  }
tec
execute0_lowered:
.L_overlay_start_1:
0x0: {  	(tag) =	ssettag $0x1  }
0x1: {  	s5 =	rddreg [dreg:$0x0]  }
0x2: {  	s12 =	rddreg [dreg:$0x1]  }
0x3: {  	s0 =	srdreg.scid;
	s2 =	rddreg [dreg:$0x2]  }
0x4: {  	s8 =	simm.s32 $0x1;
	s3 =	simm.s32 $0x0;
	s18 =	simm.s32 $0x2080  }
0x5: {  	s19 =	simm.s32 $0x0;
	s4 =	sand.u32 $0x1, s0;
	s0 =	stileid.u32  }
0x6: {  	[smem:$0x7FF] =	sst s3;
	s10 =	sadd.s32 $0x800, s5;
	s1 =	sshll.u32 s4, $0x4  }
0x7: {  	v0 =	vimm.s32 $0xFEDCBA98;
	v1 =	vimm.s32 $0x76543210;
	v3 =	vimm.s32 $0x32107654;
	s7 =	sand.u32 $0x7, s0;
	s4 =	ssub.s32 $0x2, s4;
	s6 =	sor.u32 s0, s1  }
0x8: {  	v4 =	vimm.s32 $0xDCFE98BA;
	v5 =	vimm.s32 $0x54761032;
	v6 =	vimm.s32 $0xEFCDAB89;
	s17 =	sshll.u32 s0, $0x6;
	p0 =	sne.s32 s7, $0x0;
	p1 =	seq.s32 s6, $0x0  }
0x9: {  	v7 =	vimm.s32 $0x67452301;
	vm0 =	vcmask $0x3F10;
	vm1 =	vcmask $0x3F0C;
	s30 =	sshll.u32 s0, $0x4;
	s1 =	rddreg [dreg:$0x3];
	p1 =	por !p0, !p1  }
0xa: {  	vm2 =	vcmask $0x3F08;
	vm3 =	vmmov $0x1;
	v10 =	vimm.s32 $0x3;
	_ =	strace $0x80000047;
	s23 =	sshrl.u32 s4, $0x1;
	p1 =	por !p1, !p1  }
0xb: {  	v11 =	vimm.s32 $0x4;
	v12 =	vimm.s32 $0x0;
	v0 =	vunpack.c.l.s4.s8 v0;
	s9 =	sshll.u32 s7, $0xB;
	s6 =	sshrl.u32 s6, $0x3;
	s8 =	simm.s32 @!p1 $0x0  }
0xc: {  	v1 =	vunpack.c.l.s4.s8 v1;
	v3 =	vunpack.c.l.s4.s8 v3;
	v4 =	vunpack.c.l.s4.s8 v4;
	s17 =	sshrl.u32 s17, $0x2;
	s13 =	ssub.s32 s4, s23;
	s11 =	ssub.s32 s6, s8  }
0xd: {  	v5 =	vunpack.c.l.s4.s8 v5;
	v6 =	vunpack.c.l.s4.s8 v6;
	v7 =	vunpack.c.l.s4.s8 v7;
	s4 =	simm.s32 $0x1;
	s8 =	smul.u32 $0xC000, s11;
	s11 =	sshll.u32 s11, $0x8  }
0xe: {  	v2 =	vunpack.c.0.s8.s32 v0;
	v0 =	vimm.s32 $0xBA98FEDC;
	v3 =	vunpack.c.0.s8.s32 v3;
	s13 =	smax.u32 s13, $0x1;
	s31 =	sand.u32 $0x1FFFFF00, s11;
	s11 =	sand.u32 $0x80, s30  }
0xf: {  	v4 =	vunpack.c.0.s8.s32 v4;
	v5 =	vunpack.c.0.s8.s32 v5;
	v0 =	vunpack.c.l.s4.s8 v0;
	s24 =	sor.u32 s9, s8;
	s14 =	sshrl.u32 s8, $0x3;
	s15 =	sadd.s32 $0x4000, s8  }
0x10: {  	v6 =	vunpack.c.0.s8.s32 v6;
	v7 =	vunpack.c.0.s8.s32 v7;
	v9 =	vunpack.c.0.s8.s32 v1;
	s16 =	sadd.s32 $0x8000, s8;
	s12 =	sadd.s32 s12, s31;
	s25 =	sadd.s32 $0x4000, s24  }
0x11: {  	v1 =	vimm.f32 $+Inf;
	v5 =	vcombine.low v5, v4;
	v8 =	vunpack.c.0.s8.s32 v0;
	s26 =	sadd.s32 $0x8000, s24;
	s5 =	sshrl.u32 s24, $0x3;
	s8 =	sadd.s32 s10, s14  }
0x12: {  	v6 =	vcombine.low v7, v6;
	v7 =	vimm.s32 $0x0;
	v0 =	vmov s9;
	s28 =	sshrl.u32 s15, $0x3;
	s29 =	sshrl.u32 s16, $0x3;
	s14 =	simm.s32 $0x800  }
0x13: {  	v5 =	vand.u32 $0xF, v5;
	v8 =	vcombine.low v3, v8;
	v3 =	vand.u32 $0xF, v2;
	s15 =	simm.s32 $0x1000;
	s16 =	simm.s32 $0x2000;
	s6 =	sshrl.u32 s25, $0x3  }
0x14: {  	v6 =	vand.u32 $0xF, v6;
	v2 =	vlaneseq.u32;
	v3 =	vcombine.low v3, v9;
	s7 =	sshrl.u32 s26, $0x3;
	s5 =	sadd.s32 s10, s5;
	s9 =	sadd.s32 s10, s28  }
0x15: {  	v9 =	vimm.s32 $0x2;
	v4 =	vand.u32 $0xF, v8;
	v8 =	vimm.s32 $0x1;
	s6 =	sadd.s32 s10, s6;
	s7 =	sadd.s32 s10, s7;
	s10 =	sadd.s32 s10, s29  }
.LBB2_1:
0x16: {  	[tilespmem:s3], [sflag:$0x1] =	stream.linear.gather [hbm4b:s5+s3], $0x800, $0x38;
	[tilespmem:$0x2920] =	vst v63  }
0x17: {  	_ =	swait.ge [sflag:s4], $0x800  }
0x18: {  	[sflag:s4] =	ssyncset.done $0x0  }
0x19: {  	[sflag:s4] =	ssyncadd.s32 $0xFFFFF800  }
0x1a: {  	[tilespmem:s14], [sflag:$0x1] =	stream.linear.gather [hbm4b:s6+s3], $0x800, $0x38;
	[tilespmem:$0x2920] =	vst v63  }
0x1b: {  	_ =	swait.ge [sflag:s4], $0x800  }
0x1c: {  	[sflag:s4] =	ssyncset.done $0x0  }
0x1d: {  	[sflag:s4] =	ssyncadd.s32 $0xFFFFF800  }
0x1e: {  	[tilespmem:s15], [sflag:$0x1] =	stream.linear.gather [hbm4b:s7+s3], $0x800, $0x38;
	[tilespmem:$0x2920] =	vst v63  }
0x1f: {  	_ =	swait.ge [sflag:s4], $0x800  }
0x20: {  	[sflag:s4] =	ssyncset.done $0x0  }
0x21: {  	s20 =	simm.s32 $0x40;
	s21 =	simm.s32 $0x0;
	[sflag:s4] =	ssyncadd.s32 $0xFFFFF800  }
.LBB2_2:
0x22: {  	p1 =	sne.s32 s20, $0x1FC0;
	[tilespmem:s21+$0x1800] =	vst v1;
	s21 =	smov.u32 s20;
	s20 =	sadd.s32 $0x40, s20  }
.Ltmp0:
0x23: {  	(pc) =	sbr.rel @p1 .LBB2_2-.Ltmp0, $2  }
0x24: {  	_ =	sdelay $0x2  }
0x25: {  	s21 =	sshra.s32 s21, $0x2  }
0x26: {  	[tilespmem:s21+$0x1800] =	vst v1;
	s20 =	simm.s32 $0x0  }
0x27: {  	[tilespmem:s16], [sflag:$0x1] =	stream.linear.gather [hbm4b:s8+s20], $0x10, $0x38;
	[tilespmem:$0x2920] =	vst v63  }
0x28: {  	_ =	swait.ge [sflag:s4], $0x10  }
0x29: {  	[sflag:s4] =	ssyncset.done $0x0  }
0x2a: {  	[sflag:s4] =	ssyncadd.s32 $0xFFFFFFF0  }
0x2b: {  	v13 =	vld [tilespmem:$0x2000];
	[tilespmem:s16], [sflag:$0x1] =	stream.linear.gather [hbm4b:s9+s20], $0x10, $0x38  }
0x2c: {  	_ =	swait.ge [sflag:s4], $0x10  }
0x2d: {  	[sflag:s4] =	ssyncset.done $0x0  }
0x2e: {  	[sflag:s4] =	ssyncadd.s32 $0xFFFFFFF0  }
0x2f: {  	v14 =	vld [tilespmem:$0x2000];
	[tilespmem:s16], [sflag:$0x1] =	stream.linear.gather [hbm4b:s10+s20], $0x10, $0x38  }
0x30: {  	_ =	swait.ge [sflag:s4], $0x10  }
0x31: {  	[sflag:s4] =	ssyncset.done $0x0  }
0x32: {  	[sflag:s4] =	ssyncadd.s32 $0xFFFFFFF0  }
0x33: {  	v15 =	vld [tilespmem:$0x2000];
	_ =	sdelay $0x3  }
0x34: {  	v13 =	vperm.xlane v13, v12  }
0x35: {  	v16 =	vimm.s32 $0x0;
	v14 =	vperm.xlane v14, v12;
	v15 =	vperm.xlane v15, v12  }
.LBB2_4:
0x36: {  	v17 =	vmov @!p0 s20;
	_ =	sdelay $0x3  }
0x37: {  	s21 =	simm.s32 @!p0 $0x2100  }
0x38: {  	s28 =	simm.s32 $0x1040;
	[tilespmem:v17+s21+$0x0] =	vst.idx.msk @!p0 $0x1, v16  }
0x39: {  	v16 =	vld [tilespmem:s28+$0x30]  }
0x3a: {  	s22 =	simm.s32 $0x40;
	v17 =	vld [tilespmem:s28+$0x20]  }
0x3b: {  	s23 =	simm.s32 $0x840;
	v18 =	vld [tilespmem:s22+$0x30]  }
0x3c: {  	v19 =	vld [tilespmem:s23+$0x30]  }
0x3d: {  	v20 =	vld [tilespmem:s28+$0x10]  }
0x3e: {  	v21 =	vld [tilespmem:s22+$0x20]  }
0x3f: {  	v22 =	vld [tilespmem:s23+$0x20]  }
0x40: {  	v23 =	vld [tilespmem:s28+$0x0]  }
0x41: {  	v24 =	vld [tilespmem:s22+$0x10]  }
0x42: {  	v25 =	vld [tilespmem:s23+$0x10]  }
0x43: {  	v26 =	vld [tilespmem:s28+$0xFFFFFFF0]  }
0x44: {  	v27 =	vld [tilespmem:s22+$0x0]  }
0x45: {  	v28 =	vld [tilespmem:s23+$0x0]  }
0x46: {  	v31 =	vld [tilespmem:s28+$0xFFFFFFE0];
	v29 =	vsub.f32 v17, v15;
	v30 =	vsub.f32 v16, v15  }
0x47: {  	v33 =	vld [tilespmem:s22+$0xFFFFFFF0];
	v32 =	vsub.f32 v18, v13;
	v34 =	vsub.f32 v20, v15  }
0x48: {  	v40 =	vld [tilespmem:s28+$0xFFFFFFC0];
	v36 =	vsub.f32 v19, v14;
	v37 =	vsub.f32 v21, v13  }
0x49: {  	v35 =	vimm.f32 $-Inf;
	s31 =	simm.s32 $0x0;
	v43 =	vld [tilespmem:s22+$0xFFFFFFC0];
	v38 =	vsub.f32 v22, v14;
	v39 =	vsub.f32 v23, v15  }
0x4a: {  	s24 =	simm.s32 $0x40;
	v47 =	vor.u32 s31, v2;
	v46 =	vld [tilespmem:s23+$0xFFFFFFC0];
	v24 =	vsub.f32 v24, v13;
	v41 =	vsub.f32 v26, v15  }
0x4b: {  	s25 =	simm.s32 $0x30;
	v62 =	vld [tilespmem:s22+$0xFFFFFFD0];
	v16 =	vor.u32 s24, v2;
	v42 =	vsub.f32 v25, v14;
	v44 =	vsub.f32 v27, v13  }
0x4c: {  	v52 =	vld [tilespmem:s23+$0xFFFFFFE0];
	v17 =	vor.u32 s25, v2;
	v45 =	vsub.f32 v28, v14;
	v48 =	vsub.f32 v31, v15  }
0x4d: {  	v55 =	vld [tilespmem:s23+$0xFFFFFFF0];
	v49 =	vsub.f32 v33, v13;
	v21 =	vmul.f32 v29, v29;
	v23 =	vmul.f32 v36, v36  }
0x4e: {  	v19 =	vld [tilespmem:s28+$0xFFFFFFD0];
	v53 =	vsub.f32 v43, v13;
	v25 =	vmul.f32 v34, v34;
	v26 =	vmul.f32 v37, v37  }
0x4f: {  	v54 =	vsub.f32 v46, v14;
	v29 =	vld [tilespmem:s23+$0xFFFFFFD0];
	v28 =	vmul.f32 v39, v39;
	v27 =	vmul.f32 v38, v38  }
0x50: {  	s29 =	simm.s32 $0x20;
	v22 =	vld [tilespmem:s22+$0xFFFFFFE0];
	v63 =	vsub.f32 v40, v15;
	v31 =	vmul.f32 v42, v42;
	v33 =	vmul.f32 v44, v44  }
0x51: {  	v18 =	vor.u32 s29, v2;
	v34 =	vmul.f32 v53, v53;
	v37 =	vmul.f32 v54, v54  }
0x52: {  	v40 =	vsub.f32 v52, v14;
	v36 =	vmul.f32 v63, v63;
	v57 =	vmul.f32 v48, v48  }
0x53: {  	v38 =	vsub.f32 v55, v14;
	v50 =	vsub.f32 v19, v15;
	v19 =	vmul.f32 v30, v30  }
0x54: {  	s21 =	simm.s32 $0x1840;
	v30 =	vmul.f32 v24, v24;
	v24 =	vsub.f32 v62, v13;
	v29 =	vsub.f32 v29, v14  }
0x55: {  	v56 =	vld [tilespmem:s21+$0xFFFFFFC0];
	v40 =	vmul.f32 v40, v40;
	v38 =	vmul.f32 v38, v38;
	v51 =	vsub.f32 v22, v13  }
0x56: {  	s30 =	simm.s32 $0x10;
	v59 =	vld [tilespmem:s21+$0xFFFFFFD0];
	v34 =	vadd.f32 v37, v34;
	v58 =	vmul.f32 v24, v24;
	v29 =	vmul.f32 v29, v29  }
0x57: {  	v20 =	vor.u32 s30, v2;
	v39 =	vld [tilespmem:s21+$0xFFFFFFF0];
	v22 =	vmul.f32 v32, v32;
	v60 =	vmul.f32 v51, v51  }
0x58: {  	v34 =	vadd.f32 v36, v34;
	v36 =	vld [tilespmem:s21+$0xFFFFFFE0];
	v61 =	vmul.f32 v50, v50;
	v37 =	vadd.f32 v29, v58  }
0x59: {  	v32 =	vmul.f32 v41, v41;
	v62 =	vmul.f32 v49, v49;
	v24 =	vld [tilespmem:s21+$0x30];
	v42 =	vadd.f32 v40, v60  }
0x5a: {  	v63 =	vmin.f32 v56, v34;
	v34 =	vld [tilespmem:s21+$0x10];
	v40 =	vmul.f32 v45, v45;
	v37 =	vadd.f32 v61, v37  }
0x5b: {  	vm4 =	vgt.f32 v63, v35;
	v29 =	vld [tilespmem:s21+$0x20];
	v41 =	vadd.f32 v57, v42;
	v42 =	vadd.f32 v38, v62  }
0x5c: {  	s26 =	simm.s32 $0x10C0;
	s24 =	simm.s32 $0x70;
	s25 =	simm.s32 $0x0;
	[tilespmem:s21+$0xFFFFFFC0] =	vst v63;
	v43 =	vsel vm4, v63, v35;
	v38 =	vsel vm4, v47, v12;
	v35 =	vmin.f32 v59, v37;
	v37 =	vld [tilespmem:s21+$0x0]  }
.LBB2_5:
0x5d: {  	v44 =	vld [tilespmem:s26+$0x30];
	[tilespmem:s21+$0xFFFFFFD0] =	vst v35;
	vm4 =	vgt.f32 v35, v43;
	v32 =	vadd.f32 v32, v42;
	v33 =	vadd.f32 v40, v33  }
0x5e: {  	s22 =	sadd.s32 $0x80, s22;
	v40 =	vld [tilespmem:s26+$0x20];
	v35 =	vsel vm4, v35, v43;
	v20 =	vsel vm4, v20, v38;
	v36 =	vmin.f32 v36, v41  }
0x5f: {  	v30 =	vadd.f32 v31, v30;
	s23 =	sadd.s32 $0x80, s23;
	v38 =	vld [tilespmem:s22+$0x30];
	[tilespmem:s21+$0xFFFFFFE0] =	vst v36;
	vm4 =	vgt.f32 v36, v35;
	v28 =	vadd.f32 v28, v33  }
0x60: {  	v31 =	vld [tilespmem:s23+$0x30];
	v33 =	vsel vm4, v36, v35;
	v18 =	vsel vm4, v18, v20;
	v20 =	vmin.f32 v39, v32  }
0x61: {  	v26 =	vadd.f32 v27, v26;
	v25 =	vadd.f32 v25, v30;
	v32 =	vld [tilespmem:s26+$0x10];
	[tilespmem:s21+$0xFFFFFFF0] =	vst v20;
	vm4 =	vgt.f32 v20, v33  }
0x62: {  	v27 =	vld [tilespmem:s22+$0x20];
	v20 =	vsel vm4, v20, v33;
	v17 =	vsel vm4, v17, v18;
	v18 =	vmin.f32 v37, v28  }
0x63: {  	v22 =	vadd.f32 v23, v22;
	v21 =	vadd.f32 v21, v26;
	v28 =	vld [tilespmem:s23+$0x20];
	[tilespmem:s21+$0x0] =	vst v18;
	vm4 =	vgt.f32 v18, v20  }
0x64: {  	s28 =	sadd.s32 $0xFFFFFFE0, s24;
	v23 =	vld [tilespmem:s26+$0x0];
	v18 =	vsel vm4, v18, v20;
	v16 =	vsel vm4, v16, v17;
	v17 =	vmin.f32 v34, v25  }
0x65: {  	v19 =	vadd.f32 v19, v22;
	v25 =	vor.u32 s28, v2;
	v20 =	vld [tilespmem:s22+$0x10];
	[tilespmem:s21+$0x10] =	vst v17;
	vm4 =	vgt.f32 v17, v18  }
0x66: {  	s28 =	sadd.s32 $0xFFFFFFF0, s24;
	v22 =	vld [tilespmem:s23+$0x10];
	v17 =	vsel vm4, v17, v18;
	v16 =	vsel vm4, v25, v16;
	v18 =	vmin.f32 v29, v21  }
0x67: {  	v26 =	vor.u32 s24, v2;
	v25 =	vor.u32 s28, v2;
	v21 =	vld [tilespmem:s26+$0xFFFFFFF0];
	[tilespmem:s21+$0x20] =	vst v18;
	vm4 =	vgt.f32 v18, v17  }
0x68: {  	v29 =	vld [tilespmem:s22+$0x0];
	v17 =	vsel vm4, v18, v17;
	v16 =	vsel vm4, v25, v16;
	v18 =	vmin.f32 v24, v19  }
0x69: {  	v24 =	vsub.f32 v40, v15;
	v25 =	vsub.f32 v44, v15;
	v19 =	vld [tilespmem:s23+$0x0];
	[tilespmem:s21+$0x30] =	vst v18;
	vm4 =	vgt.f32 v18, v17  }
0x6a: {  	v33 =	vsub.f32 v38, v13;
	s24 =	sadd.s32 $0x80, s24;
	v30 =	vld [tilespmem:s26+$0xFFFFFFE0];
	v35 =	vsel vm4, v18, v17;
	v37 =	vsel vm4, v26, v16  }
0x6b: {  	v31 =	vsub.f32 v31, v14;
	s28 =	sadd.s32 $0xFFFFFFD0, s24;
	v32 =	vsub.f32 v32, v15;
	v26 =	vld [tilespmem:s22+$0xFFFFFFF0]  }
0x6c: {  	s29 =	sadd.s32 $0xFFFFFFC0, s24;
	v27 =	vsub.f32 v27, v13;
	v36 =	vsub.f32 v28, v14;
	v16 =	vor.u32 s28, v2;
	v34 =	vld [tilespmem:s26+$0xFFFFFFD0]  }
0x6d: {  	v38 =	vsub.f32 v23, v15;
	s28 =	sadd.s32 $0xFFFFFFB0, s24;
	v17 =	vor.u32 s29, v2;
	v39 =	vsub.f32 v20, v13;
	v28 =	vld [tilespmem:s22+$0xFFFFFFE0]  }
0x6e: {  	s29 =	sadd.s32 $0xFFFFFFA0, s24;
	v18 =	vor.u32 s28, v2;
	v42 =	vsub.f32 v22, v14;
	v41 =	vsub.f32 v21, v15;
	v40 =	vld [tilespmem:s26+$0xFFFFFFC0]  }
0x6f: {  	s28 =	sadd.s32 $0xFFFFFF90, s24;
	v20 =	vor.u32 s29, v2;
	v29 =	vsub.f32 v29, v13;
	v44 =	vsub.f32 v19, v14;
	v43 =	vld [tilespmem:s22+$0xFFFFFFC0]  }
0x70: {  	s25 =	sadd.s32 $0x8, s25;
	v46 =	vor.u32 s28, v2;
	v47 =	vsub.f32 v30, v15;
	v45 =	vld [tilespmem:s23+$0xFFFFFFC0];
	v48 =	vsub.f32 v26, v13  }
0x71: {  	p1 =	slt.u32 s25, $0x78;
	v21 =	vmul.f32 v24, v24;
	v19 =	vmul.f32 v25, v25;
	v49 =	vld [tilespmem:s22+$0xFFFFFFD0];
	v34 =	vsub.f32 v34, v15  }
0x72: {  	v23 =	vmul.f32 v31, v31;
	v22 =	vmul.f32 v33, v33;
	v24 =	vld [tilespmem:s23+$0xFFFFFFD0];
	v50 =	vsub.f32 v28, v13  }
0x73: {  	v25 =	vmul.f32 v32, v32;
	v26 =	vmul.f32 v27, v27;
	v40 =	vsub.f32 v40, v15;
	v51 =	vld [tilespmem:s23+$0xFFFFFFE0]  }
0x74: {  	v27 =	vmul.f32 v36, v36;
	v28 =	vmul.f32 v38, v38;
	v43 =	vsub.f32 v43, v13  }
0x75: {  	v31 =	vmul.f32 v42, v42;
	v30 =	vmul.f32 v39, v39;
	v36 =	vsub.f32 v45, v14;
	v38 =	vld [tilespmem:s23+$0xFFFFFFF0]  }
0x76: {  	v32 =	vmul.f32 v41, v41;
	v33 =	vmul.f32 v29, v29;
	v39 =	vsub.f32 v49, v13  }
0x77: {  	s21 =	sadd.s32 $0x80, s21;
	v29 =	vmul.f32 v43, v43;
	v36 =	vmul.f32 v36, v36;
	v24 =	vsub.f32 v24, v14  }
0x78: {  	v40 =	vmul.f32 v40, v40;
	v43 =	vmul.f32 v47, v47;
	v41 =	vld [tilespmem:s21+$0xFFFFFFC0];
	v42 =	vsub.f32 v51, v14  }
0x79: {  	v29 =	vadd.f32 v36, v29;
	v36 =	vmul.f32 v39, v39;
	v39 =	vmul.f32 v24, v24;
	v24 =	vld [tilespmem:s21+$0x30]  }
0x7a: {  	v47 =	vmul.f32 v50, v50;
	v45 =	vld [tilespmem:s21+$0xFFFFFFD0];
	v42 =	vmul.f32 v42, v42;
	v38 =	vsub.f32 v38, v14  }
.Ltmp1:
0x7b: {  	v34 =	vmul.f32 v34, v34;
	v40 =	vadd.f32 v40, v29;
	v39 =	vadd.f32 v39, v36;
	v29 =	vld [tilespmem:s21+$0x20];
	(pc) =	sbr.rel @p1 .LBB2_5-.Ltmp1, $4  }
0x7c: {  	v36 =	vld [tilespmem:s21+$0xFFFFFFE0];
	v42 =	vadd.f32 v42, v47;
	v47 =	vmul.f32 v48, v48;
	v38 =	vmul.f32 v38, v38  }
0x7d: {  	v48 =	vmin.f32 v41, v40;
	v49 =	vadd.f32 v34, v39;
	v40 =	vmul.f32 v44, v44;
	v34 =	vld [tilespmem:s21+$0x10]  }
0x7e: {  	[tilespmem:s21+$0xFFFFFFC0] =	vst v48;
	vm4 =	vgt.f32 v48, v35;
	v41 =	vadd.f32 v43, v42;
	v39 =	vld [tilespmem:s21+$0xFFFFFFF0];
	v42 =	vadd.f32 v38, v47  }
0x7f: {  	s26 =	sadd.s32 $0x80, s26;
	v43 =	vsel vm4, v48, v35;
	v38 =	vsel vm4, v46, v37;
	v35 =	vmin.f32 v45, v49;
	v37 =	vld [tilespmem:s21+$0x0]  }
0x80: {  	vm4 =	vgt.f32 v35, v43;
	v13 =	vadd.f32 v40, v33  }
0x81: {  	v14 =	vadd.f32 v32, v42;
	v15 =	vsel vm4, v35, v43;
	v51 =	vmin.f32 v36, v41  }
0x82: {  	v52 =	vadd.f32 v31, v30;
	vm5 =	vgt.f32 v51, v15  }
0x83: {  	v13 =	vadd.f32 v28, v13;
	v15 =	vsel vm5, v51, v15;
	v14 =	vmin.f32 v39, v14  }
0x84: {  	v26 =	vadd.f32 v27, v26;
	vm6 =	vgt.f32 v14, v15  }
0x85: {  	v25 =	vadd.f32 v25, v52;
	v13 =	vmin.f32 v37, v13;
	v15 =	vsel vm6, v14, v15  }
0x86: {  	v22 =	vadd.f32 v23, v22;
	vm7 =	vgt.f32 v13, v15  }
0x87: {  	v21 =	vadd.f32 v21, v26;
	v53 =	vmin.f32 v34, v25;
	v15 =	vsel vm7, v13, v15  }
0x88: {  	vm8 =	vgt.f32 v53, v15  }
0x89: {  	v19 =	vadd.f32 v19, v22;
	v21 =	vmin.f32 v29, v21;
	v15 =	vsel vm8, v53, v15  }
0x8a: {  	vm9 =	vgt.f32 v21, v15  }
0x8b: {  	v19 =	vmin.f32 v24, v19;
	v15 =	vsel vm9, v21, v15  }
0x8c: {  	vm10 =	vgt.f32 v19, v15  }
0x8d: {  	v15 =	vsel vm10, v19, v15  }
0x8e: {  	v54 =	vperm.xlane v15, v3;
	_ =	sdelay $0x1  }
0x8f: {  	v22 =	vmax.f32 v15, v54  }
0x90: {  	v55 =	vperm.xlane v22, v4;
	_ =	sdelay $0x1  }
0x91: {  	v22 =	vmax.f32 v22, v55  }
0x92: {  	v20 =	vsel vm4, v20, v38;
	v24 =	vperm.xlane v22, v5  }
0x93: {  	v18 =	vsel vm5, v18, v20  }
0x94: {  	s22 =	sadd.s32 $0xFFFFFFE0, s24;
	v17 =	vsel vm6, v17, v18;
	v18 =	vmax.f32 v22, v24  }
0x95: {  	s29 =	sadd.s32 $0xFFFFFFF0, s24;
	v16 =	vsel vm7, v16, v17;
	v17 =	vor.u32 s22, v2;
	v56 =	vperm.xlane v18, v6  }
0x96: {  	v16 =	vsel vm8, v17, v16;
	v17 =	vor.u32 s29, v2  }
0x97: {  	v57 =	vor.u32 s24, v2;
	v16 =	vsel vm9, v17, v16;
	v17 =	vmax.f32 v18, v56  }
0x98: {  	v16 =	vsel vm10, v57, v16;
	vm4 =	veq.f32 v15, v17  }
0x99: {  	v15 =	vnsel vm4, $0x7FFFFFFF, v16  }
0x9a: {  	v16 =	vperm.xlane v15, v3;
	_ =	sdelay $0x1  }
0x9b: {  	vm4 =	vlt.s32 v15, v16  }
0x9c: {  	v15 =	vsel vm4, v15, v16  }
0x9d: {  	v16 =	vperm.xlane v15, v4;
	_ =	sdelay $0x1  }
0x9e: {  	vm4 =	vlt.s32 v15, v16  }
0x9f: {  	v15 =	vsel vm4, v15, v16  }
0xa0: {  	v16 =	vperm.xlane v15, v5;
	_ =	sdelay $0x1  }
0xa1: {  	vm4 =	vlt.s32 v15, v16  }
0xa2: {  	v15 =	vsel vm4, v15, v16  }
0xa3: {  	v16 =	vperm.xlane v15, v6  }
0xa4: {  	[tilespmem:s21+$0xFFFFFFD0] =	vst v35  }
0xa5: {  	[tilespmem:s21+$0xFFFFFFE0] =	vst v51;
	vm4 =	vlt.s32 v15, v16  }
0xa6: {  	[tilespmem:s21+$0xFFFFFFF0] =	vst v14;
	v14 =	vsel vm4, v15, v16  }
0xa7: {  	[tilespmem:s21+$0x0] =	vst v13  }
0xa8: {  	[tilespmem:s21+$0x10] =	vst v53  }
0xa9: {  	[tilespmem:s21+$0x20] =	vst v21  }
0xaa: {  	[tilespmem:s21+$0x30] =	vst v19  }
0xab: {  	v13 =	vld.idx.msk [tilespmem:v14+s14+$0x0], $0xffff  }
0xac: {  	v15 =	vld.idx.msk [tilespmem:v14+s15+$0x0], $0xffff  }
0xad: {  	v16 =	vld.idx.msk [tilespmem:v14+s3+$0x0], $0xffff;
	_ =	sdelay $0x3  }
0xae: {  	v13 =	vsel vm0, v15, v13  }
0xaf: {  	s30 =	sshll.u32 s20, $0x8;
	v14 =	vadd.s32 v0, v14;
	v13 =	vsel vm1, v13, v16  }
0xb0: {  	s21 =	sand.u32 $0x100, s30;
	v13 =	vsel vm2, v13, v14  }
0xb1: {  	s21 =	sadd.s32 s21, s2;
	v13 =	vsel vm3, v17, v13  }
0xb2: {  	s31 =	sadd.s32 s17, s21;
	[tilespmem:$0x2000] =	vst v13  }
0xb3: {  	[spmem:s31] =	stream.linear.scatter [tilespmem:s16], [sflag:$0x1], $0x10, $0x38;
	[tilespmem:$0x2920] =	vst v63  }
0xb4: {  	_ =	swait.ge [sflag:s4], $0x10  }
0xb5: {  	[sflag:s4] =	ssyncset.done $0x0  }
0xb6: {  	[sflag:s4] =	ssyncadd.s32 $0xFFFFFFF0  }
0xb7: {  	s21 =	sadd.s32 s11, s21;
	[bflag:$0x0] =	sbarrier.arrive $0xFFFF  }
0xb8: {  	[tilespmem:s18], [sflag:$0x1] =	stream.linear.gather [spmem:s21], $0x80, $0x38;
	[tilespmem:$0x2920] =	vst v63  }
0xb9: {  	_ =	swait.ge [sflag:s4], $0x80  }
0xba: {  	[sflag:s4] =	ssyncset.done $0x0  }
0xbb: {  	[sflag:s4] =	ssyncadd.s32 $0xFFFFFF80  }
0xbc: {  	v13 =	vld [tilespmem:$0x2080]  }
0xbd: {  	v14 =	vld [tilespmem:$0x2090];
	_ =	sdelay $0x1  }
0xbe: {  	v15 =	vld [tilespmem:$0x20A0];
	_ =	sdelay $0x1  }
0xbf: {  	v16 =	vld [tilespmem:$0x20B0]  }
0xc0: {  	v17 =	vperm.xlane v13, v7;
	v18 =	vperm.xlane v14, v7  }
0xc1: {  	v19 =	vld [tilespmem:$0x20C0]  }
0xc2: {  	v58 =	vperm.xlane v15, v7;
	vm4 =	vgt.f32 v18, v17  }
0xc3: {  	v17 =	vsel vm4, v18, v17;
	v18 =	vld [tilespmem:$0x20D0]  }
0xc4: {  	v59 =	vperm.xlane v16, v7;
	vm5 =	vgt.f32 v58, v17  }
0xc5: {  	v60 =	vld [tilespmem:$0x20E0];
	v17 =	vsel vm5, v58, v17  }
0xc6: {  	v61 =	vperm.xlane v19, v7;
	vm14 =	vgt.f32 v59, v17  }
0xc7: {  	v62 =	vld [tilespmem:$0x20F0];
	v17 =	vsel vm14, v59, v17  }
0xc8: {  	vm15 =	vgt.f32 v61, v17;
	v63 =	vperm.xlane v18, v7  }
0xc9: {  	v13 =	vsel vm4, v14, v13;
	v14 =	vsel vm15, v61, v17  }
0xca: {  	v13 =	vsel vm5, v15, v13;
	v15 =	vperm.xlane v60, v7;
	vm4 =	vgt.f32 v63, v14  }
0xcb: {  	s20 =	sadd.s32 $0x1, s20;
	v13 =	vsel vm14, v16, v13;
	v14 =	vsel vm4, v63, v14  }
0xcc: {  	p1 =	sne.s32 s20, $0x800;
	v16 =	vperm.xlane v62, v7;
	v13 =	vsel vm15, v19, v13;
	vm5 =	vgt.f32 v15, v14  }
.Ltmp2:
0xcd: {  	v13 =	vsel vm4, v18, v13;
	v14 =	vsel vm5, v15, v14;
	(pc) =	sbr.rel @p1 .LBB2_4-.Ltmp2, $4  }
0xce: {  	v13 =	vsel vm5, v60, v13;
	vm4 =	vgt.f32 v16, v14  }
0xcf: {  	v15 =	vsel vm4, v62, v13  }
0xd0: {  	v16 =	vperm.xlane v15, v8;
	v13 =	vperm.xlane v15, v9  }
0xd1: {  	v14 =	vperm.xlane v15, v10;
	v15 =	vperm.xlane v15, v11  }
0xd2: {  	s20 =	simm.s32 @!p0 $0x0;
	s21 =	simm.s32 @!p0 $0x2100;
	s19 =	sadd.s32 $0x1, s19  }
0xd3: {  	[hbm4b:s12+s20] =	stream.linear.scatter @!p0 [tilespmem:s21], [sflag:$0x1], $0x800, $0x38;
	[tilespmem:$0x2920] =	vst v63  }
0xd4: {  	p1 =	sne.s32 s19, s13  }
.Ltmp3:
0xd5: {  	_ = 	snop;
	(pc) =	sbr.rel @p1 .LBB2_1-.Ltmp3, $4  }
0xd6: {  	s20 =	simm.s32 @!p0 $0x1  }
0xd7: {  	_ =	swait.ge @!p0 [sflag:s20], $0x800  }
0xd8: {  	[sflag:s20] =	ssyncset.done @!p0 $0x0  }
0xd9: {  	[sflag:s20] =	ssyncadd.s32 @!p0 $0xFFFFF800  }
0xda: {  	_ =	sfence.sel $0x180000  }
0xdb: {  	[bflag:$0x0] =	sbarrier.arrive $0xFFFF  }
0xdc: {  	p0 =	sne.s32 s0, $0x0;
	_ =	strace $0x90000047  }
0xdd: {  	s0 =	sadd.s32 @!p0 $0x100000, s1;
	[bflag:$0x2] =	sbarrier.arrive $0xFFFF  }
0xde: {  	[sflag:s0] =	ssyncadd.tile.s32 @!p0 $0x1;
	_ =	shalt  }
.Lfunc_end2:
_tile_overlayer_lowered:
.L_overlay_start_2:
0xdf: {  	(tag) =	ssettag $0x2  }
0xe0: {  	s0 =	rddreg [dreg:$0x0];
	s2 =	stileid.u32  }
0xe1: {  	s1 =	rddreg [dreg:$0x1];
	p0 =	sne.s32 s2, $0x0  }
0xe2: {  	s3 =	rddreg [dreg:$0x2];
	[bflag:$0x3] =	sbarrier.arrive $0xFFFF;
	s2 =	simm.s32 @!p0 $0x1C01  }
0xe3: {  	[timem:s3], [sflag:s2] =	dma.local @!p0 [hbm:s0], s1  }
0xe4: {  	s0 =	simm.s32 @!p0 $0x1  }
0xe5: {  	_ =	swait.ge @!p0 [sflag:s0], s1  }
0xe6: {  	s1 =	ssub.s32 @!p0 $0x0, s1;
	[sflag:s0] =	ssyncset.done @!p0 $0x0  }
0xe7: {  	[sflag:s0] =	ssyncadd.s32 @!p0 s1  }
0xe8: {  	[bflag:$0x3] =	sbarrier.arrive $0xFFFF  }
0xe9: {  	_ =	shalt  }

</sc_bundles>
